<compile_context>
chip_gen: v7x
topology: tpu7x:2x2x1
jax: 0.10.2.dev20260603
libtpu: 0.0.44.dev20260713+nightly
codegen_flags: <defaults>
</compile_context>

<pallas_src>
import dataclasses
import functools

import jax
import jax.numpy as jnp
from jax import lax
from jax.experimental import pallas as pl
from jax.experimental.pallas import tpu as pltpu
from jax.experimental.pallas import tpu_sc as plsc

NUM_CORES = 2
NUM_SUBCORES = 16
NUM_TILES = NUM_CORES * NUM_SUBCORES
CHUNK = 64
LANES = 16
REL_PAD = 512


def _sc_aggregate(x, idx3, rel_emb, zero_d, num_chunks):
    n, d = x.shape
    chunks_per_tile = num_chunks // NUM_TILES
    assert chunks_per_tile * NUM_TILES == num_chunks
    assert chunks_per_tile % 2 == 1
    pairs = (chunks_per_tile - 1) // 2
    rows_per_tile = -(-n // (NUM_SUBCORES * CHUNK)) * CHUNK
    n_pad = rows_per_tile * NUM_SUBCORES
    stages = rows_per_tile // CHUNK

    mesh = plsc.VectorSubcoreMesh(
        core_axis_name="c",
        subcore_axis_name="s",
        num_cores=NUM_CORES,
        num_subcores=NUM_SUBCORES,
    )

    cp = pltpu.CompilerParams()
    if "needs_layout_passes" in pltpu.CompilerParams.__dataclass_fields__:
        cp = dataclasses.replace(cp, needs_layout_passes=False)

    @functools.partial(
        pl.kernel,
        compiler_params=cp,
        out_type=(
            jax.ShapeDtypeStruct((NUM_CORES, n_pad, d), jnp.float32),
            jax.ShapeDtypeStruct((NUM_TILES * n_pad,), jnp.float32),
        ),
        mesh=mesh,
        scratch_types=[
            pltpu.VMEM_SHARED((n_pad, d), jnp.float32),
            pltpu.VMEM((3, CHUNK), jnp.int32),
            pltpu.VMEM((3, CHUNK), jnp.int32),
            pltpu.VMEM((CHUNK, d), jnp.float32),
            pltpu.VMEM((CHUNK, d), jnp.float32),
            pltpu.VMEM((CHUNK, d), jnp.float32),
            pltpu.VMEM((CHUNK, d), jnp.float32),
            pltpu.VMEM((n_pad,), jnp.float32),
            pltpu.SemaphoreType.DMA,
            pltpu.SemaphoreType.DMA,
            pltpu.SemaphoreType.DMA,
            pltpu.SemaphoreType.DMA,
            pltpu.SemaphoreType.DMA,
            pltpu.SemaphoreType.DMA,
            pltpu.SemaphoreType.DMA,
            pltpu.SemaphoreType.DMA,
        ],
    )
    def sc_kernel(
        x_hbm, idx3_hbm, rel_hbm, zd_hbm,
        out_hbm, outdeg_hbm,
        accum,
        idx0, idx1, xb0, xb1, rb0, rb1, degtile,
        semi0, semi1, semg0, semg1, sems0, sems1, semw0, semw1,
    ):
        cid = lax.axis_index("c")
        sid = lax.axis_index("s")
        wid = cid * NUM_SUBCORES + sid
        row0 = sid * rows_per_tile
        idxs = (idx0, idx1)
        xbs = (xb0, xb1)
        rbs = (rb0, rb1)
        semis = (semi0, semi1)
        semgs = (semg0, semg1)
        semws = (semw0, semw1)
        ones16 = jnp.full((LANES,), 1.0, jnp.float32)
        zeros16 = jnp.zeros((LANES,), jnp.float32)

        def chunk_of(k):
            return wid + k * NUM_TILES

        def load_idx(k, b):
            return pltpu.async_copy(idx3_hbm.at[chunk_of(k)], idxs[b],
                                    semis[b])

        def start_gathers(b):
            pltpu.async_copy(x_hbm.at[idxs[b].at[0]], xbs[b], semgs[b])
            pltpu.async_copy(rel_hbm.at[idxs[b].at[1]], rbs[b], semgs[b])

        def wait_idx(b):
            pltpu.make_async_copy(idx3_hbm.at[0], idxs[b], semis[b]).wait()

        def wait_gathers(b):
            pltpu.make_async_copy(x_hbm.at[idxs[b].at[0]], xbs[b],
                                  semgs[b]).wait()
            pltpu.make_async_copy(rel_hbm.at[idxs[b].at[1]], rbs[b],
                                  semgs[b]).wait()

        def scatter(b):
            cpx = pltpu.async_copy(xbs[b], accum.at[idxs[b].at[2]], sems0,
                                   add=True)
            cpr = pltpu.async_copy(rbs[b], accum.at[idxs[b].at[2]], sems1,
                                   add=True)
            for g in range(CHUNK // LANES):
                dstv = idxs[b][2, pl.ds(g * LANES, LANES)]
                plsc.addupdate_scatter(degtile, [dstv], ones16)
            cpx.wait()
            cpr.wait()

        pltpu.sync_copy(zd_hbm, xb0)

        for j in range(stages):
            pltpu.sync_copy(xb0, accum.at[pl.ds(row0 + j * CHUNK, CHUNK), :])

        @pl.loop(0, n_pad // LANES)
        def _(i):
            degtile[pl.ds(i * LANES, LANES)] = zeros16

        plsc.subcore_barrier()

        load_idx(0, 0).wait()
        start_gathers(0)
        load_idx(1, 1)

        @pl.loop(0, pairs)
        def _(t):
            k = 2 * t
            wait_gathers(0)
            wait_idx(1)
            start_gathers(1)
            scatter(0)
            load_idx(k + 2, 0)
            wait_gathers(1)
            wait_idx(0)
            start_gathers(0)
            scatter(1)
            load_idx(k + 3, 1)

        wait_gathers(0)
        wait_idx(1)
        scatter(0)

        pltpu.sync_copy(degtile, outdeg_hbm.at[pl.ds(wid * n_pad, n_pad)])

        plsc.subcore_barrier()

        for j in range(stages):
            b = j & 1
            r = row0 + j * CHUNK
            if j >= 2:
                pltpu.make_async_copy(
                    xbs[b], out_hbm.at[cid, pl.ds(row0, CHUNK), :], semws[b]
                ).wait()
            pltpu.sync_copy(accum.at[pl.ds(r, CHUNK), :], xbs[b])
            pltpu.async_copy(
                xbs[b], out_hbm.at[cid, pl.ds(r, CHUNK), :], semws[b]
            )
        for b in range(2):
            pltpu.make_async_copy(
                xbs[b], out_hbm.at[cid, pl.ds(row0, CHUNK), :], semws[b]
            ).wait()

    return sc_kernel(x, idx3, rel_emb, zero_d)


_SLOPE = (1.0 / 8.0 + 1.0 / 3.0) / 2.0


def _tc_combine_body(p0, p1, dall, xb, wn, lw, elw, o):
    acc = p0[...] + p1[...]
    deg = jnp.sum(dall[...], axis=1, keepdims=True)
    prec = lax.Precision.HIGHEST
    h = lax.dot(acc, wn[...], precision=prec)
    norm = 1.0 / jnp.maximum(deg, 1.0)
    loop_main = lax.dot(xb[...], lw[...], precision=prec)
    loop_evolve = lax.dot(xb[...], elw[...], precision=prec)
    loop_msg = jnp.where(deg > 0.0, loop_main, loop_evolve)
    y = h * norm + loop_msg
    o[...] = jnp.where(y >= 0.0, y, y * _SLOPE)


def _tc_combine(parts, degparts, x, wn, lw, elw):
    n, d = x.shape
    blk = 1000
    grid = n // blk
    assert grid * blk == n
    row_spec = pl.BlockSpec((blk, d), lambda i: (i, 0))
    deg_spec = pl.BlockSpec((blk, NUM_TILES), lambda i: (i, 0))
    full_spec = pl.BlockSpec((d, d), lambda i: (0, 0))
    return pl.pallas_call(
        _tc_combine_body,
        grid=(grid,),
        in_specs=[row_spec, row_spec, deg_spec, row_spec,
                  full_spec, full_spec, full_spec],
        out_specs=row_spec,
        out_shape=jax.ShapeDtypeStruct((n, d), jnp.float32),
    )(parts[0], parts[1], degparts, x, wn, lw, elw)


def kernel(x, edge_index, edge_rel, rel_emb, W_neighbor, loop_weight,
           evolve_loop_weight):
    n, d = x.shape
    e = edge_index.shape[1]
    rows_per_tile = -(-n // (NUM_SUBCORES * CHUNK)) * CHUNK
    n_pad = rows_per_tile * NUM_SUBCORES
    num_chunks = -(-e // CHUNK)
    cpt = -(-num_chunks // NUM_TILES)
    if cpt % 2 == 0:
        cpt += 1
    num_chunks = cpt * NUM_TILES
    e_pad = num_chunks * CHUNK
    src = jnp.concatenate(
        [edge_index[0], jnp.zeros((e_pad - e,), jnp.int32)]
    )
    rel = jnp.concatenate([edge_rel, jnp.zeros((e_pad - e,), jnp.int32)])
    dst = jnp.concatenate(
        [edge_index[1], jnp.full((e_pad - e,), n_pad - 1, jnp.int32)]
    )
    idx3 = jnp.stack(
        [
            src.reshape(num_chunks, CHUNK),
            rel.reshape(num_chunks, CHUNK),
            dst.reshape(num_chunks, CHUNK),
        ],
        axis=1,
    )
    idx3 = jnp.concatenate(
        [idx3, jnp.zeros((2 * NUM_TILES, 3, CHUNK), jnp.int32)], axis=0
    )
    rel_padded = jnp.zeros((REL_PAD, d), jnp.float32).at[
        : rel_emb.shape[0]
    ].set(rel_emb)
    zero_d = jnp.zeros((CHUNK, d), jnp.float32)
    parts, degflat = _sc_aggregate(x, idx3, rel_padded, zero_d, num_chunks)
    degparts = degflat.reshape(NUM_TILES, n_pad).T
    return _tc_combine(parts, degparts, x, W_neighbor, loop_weight,
                       evolve_loop_weight)

# --- scband reference (transcript-rebuilt; emitter-appended) ---
"""Pipeline reference for scband-net-77532749627674 (READ-ONLY COPY).

The authoritative reference and input builder live on the scoring server;
editing this copy changes nothing except your own understanding.
"""

import jax, jax.numpy as jnp
import numpy as np

N = 10000
E = 320000
D = 128
NUM_REL = 461


def setup_inputs(seed: int = 0) -> dict:
    key = jax.random.key(seed)
    ks = jax.random.split(key, 8)
    x = jax.random.normal(ks[0], (N, D), dtype=jnp.float32)
    edge_index = jax.random.randint(ks[1], (2, E), 0, N, dtype=jnp.int32)
    edge_rel = jax.random.randint(ks[2], (E,), 0, NUM_REL, dtype=jnp.int32)
    scale = 1.0 / np.sqrt(D)
    rel_emb = jax.random.normal(ks[3], (NUM_REL, D), dtype=jnp.float32) * scale
    W_neighbor = jax.random.normal(ks[4], (D, D), dtype=jnp.float32) * scale
    loop_weight = jax.random.normal(ks[5], (D, D), dtype=jnp.float32) * scale
    evolve_loop_weight = jax.random.normal(ks[6], (D, D), dtype=jnp.float32) * scale
    return {
        "x": x,
        "edge_index": edge_index,
        "edge_rel": edge_rel,
        "rel_emb": rel_emb,
        "W_neighbor": W_neighbor,
        "loop_weight": loop_weight,
        "evolve_loop_weight": evolve_loop_weight,
    }


def reference(x, edge_index, edge_rel, rel_emb, W_neighbor, loop_weight, evolve_loop_weight):
    # UnionRGCNLayer forward (eval mode: dropout = identity, rrelu uses mean slope)
    src = edge_index[0]
    dst = edge_index[1]
    # msg_func: msg = (h[src] + rel_emb[rel]) @ W_neighbor
    msg = (jnp.take(x, src, axis=0) + jnp.take(rel_emb, edge_rel, axis=0)) @ W_neighbor
    # fn.sum aggregation to dst nodes
    agg = jax.ops.segment_sum(msg, dst, num_segments=N)
    # in-degree norm (apply_func: h * norm)
    deg = jax.ops.segment_sum(jnp.ones((E,), dtype=x.dtype), dst, num_segments=N)
    norm = 1.0 / jnp.maximum(deg, 1.0)
    h = agg * norm[:, None]
    # loop message: evolve_loop_weight for zero in-degree nodes, loop_weight otherwise
    loop_evolve = x @ evolve_loop_weight
    loop_main = x @ loop_weight
    loop_message = jnp.where((deg > 0)[:, None], loop_main, loop_evolve)
    node_repr = h + loop_message
    # F.rrelu in eval mode: negative slope = (lower + upper) / 2 = (1/8 + 1/3) / 2
    slope = (1.0 / 8.0 + 1.0 / 3.0) / 2.0
    node_repr = jnp.where(node_repr >= 0, node_repr, node_repr * slope)
    return node_repr

if __name__ == "__main__":
    import jax
    _d = setup_inputs()
    print(jax.jit(kernel)(*tuple(_d.values())))

</pallas_src>

<mosaic_0001>
#map = affine_map<(d0, d1) -> (0, 0)>
#map1 = affine_map<(d0, d1) -> (0, 0, 0)>
#map2 = affine_map<(d0, d1) -> (0)>
module attributes {stable_mosaic.version = 14 : i64} {
  func.func @sc_kernel(%arg0: i32, %arg1: i32, %arg2: memref<10000x128xf32, #tpu.memory_space<hbm>>, %arg3: memref<5088x3x64xi32, #tpu.memory_space<hbm>>, %arg4: memref<512x128xf32, #tpu.memory_space<hbm>>, %arg5: memref<64x128xf32, #tpu.memory_space<hbm>>, %arg6: memref<2x10240x128xf32, #tpu.memory_space<hbm>>, %arg7: memref<327680xf32, #tpu.memory_space<hbm>>, %arg8: memref<10240x128xf32, #tpu.memory_space<vmem_shared>>, %arg9: memref<3x64xi32, #tpu.memory_space<vmem>>, %arg10: memref<3x64xi32, #tpu.memory_space<vmem>>, %arg11: memref<64x128xf32, #tpu.memory_space<vmem>>, %arg12: memref<64x128xf32, #tpu.memory_space<vmem>>, %arg13: memref<64x128xf32, #tpu.memory_space<vmem>>, %arg14: memref<64x128xf32, #tpu.memory_space<vmem>>, %arg15: memref<10240xf32, #tpu.memory_space<vmem>>, %arg16: memref<!tpu.dma_semaphore, #tpu.memory_space<semaphore_mem>>, %arg17: memref<!tpu.dma_semaphore, #tpu.memory_space<semaphore_mem>>, %arg18: memref<!tpu.dma_semaphore, #tpu.memory_space<semaphore_mem>>, %arg19: memref<!tpu.dma_semaphore, #tpu.memory_space<semaphore_mem>>, %arg20: memref<!tpu.dma_semaphore, #tpu.memory_space<semaphore_mem>>, %arg21: memref<!tpu.dma_semaphore, #tpu.memory_space<semaphore_mem>>, %arg22: memref<!tpu.dma_semaphore, #tpu.memory_space<semaphore_mem>>, %arg23: memref<!tpu.dma_semaphore, #tpu.memory_space<semaphore_mem>>) attributes {dimension_semantics = [#tpu.dimension_semantics<core_parallel>, #tpu.dimension_semantics<subcore_parallel>], iteration_bounds = array<i64: 2, 16>, scalar_prefetch = 0 : i64, scratch_operands = 16 : i64, tpu.core_type = #tpu.core_type<sc_vector_subcore>, window_params = [{transform_indices = #map}, {transform_indices = #map1}, {transform_indices = #map}, {transform_indices = #map}, {transform_indices = #map1}, {transform_indices = #map2}]} {
    %mul3A = arith.constant 16 : i32
    %mul3A_0 = arith.muli %arg0, %mul3A : i32
    %add3A = arith.addi %mul3A_0, %arg1 : i32
    %mul3A_1 = arith.constant 640 : i32
    %mul3A_2 = arith.muli %arg1, %mul3A_1 : i32
    %broadcast_in_dim3A = arith.constant 1.000000e+00 : f32
    %broadcast_in_dim3A_3 = vector.broadcast %broadcast_in_dim3A : f32 to vector<16xf32>
    %broadcast_in_dim3A_4 = arith.constant 0.000000e+00 : f32
    %broadcast_in_dim3A_5 = vector.broadcast %broadcast_in_dim3A_4 : f32 to vector<16xf32>
    "tpu.region"() ({
      %run_scoped3A = tpu.sem_alloc : memref<!tpu.dma_semaphore, #tpu.memory_space<semaphore_mem>>
      tpu.enqueue_dma source(%arg5 : memref<64x128xf32, #tpu.memory_space<hbm>>) target(%arg11 : memref<64x128xf32, #tpu.memory_space<vmem>>) target_semaphore(%run_scoped3A : memref<!tpu.dma_semaphore, #tpu.memory_space<semaphore_mem>>)
      tpu.wait_dma2 semaphore(%run_scoped3A : memref<!tpu.dma_semaphore, #tpu.memory_space<semaphore_mem>>) src(%arg5 : memref<64x128xf32, #tpu.memory_space<hbm>>) dst(%arg11 : memref<64x128xf32, #tpu.memory_space<vmem>>)
      tpu.yield
    }) : () -> ()
    %add3A_6 = arith.constant 0 : i32
    %add3A_7 = arith.addi %mul3A_2, %add3A_6 : i32
    "tpu.region"() ({
      %run_scoped3A = tpu.sem_alloc : memref<!tpu.dma_semaphore, #tpu.memory_space<semaphore_mem>>
      %dma_start3A_284 = arith.constant 0 : i32
      %dma_start3A_285 = tpu.memref_slice %arg8[%add3A_7, %dma_start3A_284] : memref<10240x128xf32, #tpu.memory_space<vmem_shared>> -> memref<64x128xf32, #tpu.memory_space<vmem_shared>>
      %dma_start3A_286 = arith.constant 0 : i32
      %dma_start3A_287 = tpu.memref_slice %arg8[%add3A_7, %dma_start3A_286] : memref<10240x128xf32, #tpu.memory_space<vmem_shared>> -> memref<64x128xf32, #tpu.memory_space<vmem_shared>>
      tpu.enqueue_dma source(%arg11 : memref<64x128xf32, #tpu.memory_space<vmem>>) target(%dma_start3A_287 : memref<64x128xf32, #tpu.memory_space<vmem_shared>>) target_semaphore(%run_scoped3A : memref<!tpu.dma_semaphore, #tpu.memory_space<semaphore_mem>>)
      %dma_wait3A_288 = arith.constant 0 : i32
      %dma_wait3A_289 = tpu.memref_slice %arg8[%add3A_7, %dma_wait3A_288] : memref<10240x128xf32, #tpu.memory_space<vmem_shared>> -> memref<64x128xf32, #tpu.memory_space<vmem_shared>>
      %dma_wait3A_290 = arith.constant 0 : i32
      %dma_wait3A_291 = tpu.memref_slice %arg8[%add3A_7, %dma_wait3A_290] : memref<10240x128xf32, #tpu.memory_space<vmem_shared>> -> memref<64x128xf32, #tpu.memory_space<vmem_shared>>
      tpu.wait_dma2 semaphore(%run_scoped3A : memref<!tpu.dma_semaphore, #tpu.memory_space<semaphore_mem>>) src(%arg11 : memref<64x128xf32, #tpu.memory_space<vmem>>) dst(%dma_wait3A_291 : memref<64x128xf32, #tpu.memory_space<vmem_shared>>)
      tpu.yield
    }) : () -> ()
    %add3A_8 = arith.constant 64 : i32
    %add3A_9 = arith.addi %mul3A_2, %add3A_8 : i32
    "tpu.region"() ({
      %run_scoped3A = tpu.sem_alloc : memref<!tpu.dma_semaphore, #tpu.memory_space<semaphore_mem>>
      %dma_start3A_284 = arith.constant 0 : i32
      %dma_start3A_285 = tpu.memref_slice %arg8[%add3A_9, %dma_start3A_284] : memref<10240x128xf32, #tpu.memory_space<vmem_shared>> -> memref<64x128xf32, #tpu.memory_space<vmem_shared>>
      %dma_start3A_286 = arith.constant 0 : i32
      %dma_start3A_287 = tpu.memref_slice %arg8[%add3A_9, %dma_start3A_286] : memref<10240x128xf32, #tpu.memory_space<vmem_shared>> -> memref<64x128xf32, #tpu.memory_space<vmem_shared>>
      tpu.enqueue_dma source(%arg11 : memref<64x128xf32, #tpu.memory_space<vmem>>) target(%dma_start3A_287 : memref<64x128xf32, #tpu.memory_space<vmem_shared>>) target_semaphore(%run_scoped3A : memref<!tpu.dma_semaphore, #tpu.memory_space<semaphore_mem>>)
      %dma_wait3A_288 = arith.constant 0 : i32
      %dma_wait3A_289 = tpu.memref_slice %arg8[%add3A_9, %dma_wait3A_288] : memref<10240x128xf32, #tpu.memory_space<vmem_shared>> -> memref<64x128xf32, #tpu.memory_space<vmem_shared>>
      %dma_wait3A_290 = arith.constant 0 : i32
      %dma_wait3A_291 = tpu.memref_slice %arg8[%add3A_9, %dma_wait3A_290] : memref<10240x128xf32, #tpu.memory_space<vmem_shared>> -> memref<64x128xf32, #tpu.memory_space<vmem_shared>>
      tpu.wait_dma2 semaphore(%run_scoped3A : memref<!tpu.dma_semaphore, #tpu.memory_space<semaphore_mem>>) src(%arg11 : memref<64x128xf32, #tpu.memory_space<vmem>>) dst(%dma_wait3A_291 : memref<64x128xf32, #tpu.memory_space<vmem_shared>>)
      tpu.yield
    }) : () -> ()
    %add3A_10 = arith.constant 128 : i32
    %add3A_11 = arith.addi %mul3A_2, %add3A_10 : i32
    "tpu.region"() ({
      %run_scoped3A = tpu.sem_alloc : memref<!tpu.dma_semaphore, #tpu.memory_space<semaphore_mem>>
      %dma_start3A_284 = arith.constant 0 : i32
      %dma_start3A_285 = tpu.memref_slice %arg8[%add3A_11, %dma_start3A_284] : memref<10240x128xf32, #tpu.memory_space<vmem_shared>> -> memref<64x128xf32, #tpu.memory_space<vmem_shared>>
      %dma_start3A_286 = arith.constant 0 : i32
      %dma_start3A_287 = tpu.memref_slice %arg8[%add3A_11, %dma_start3A_286] : memref<10240x128xf32, #tpu.memory_space<vmem_shared>> -> memref<64x128xf32, #tpu.memory_space<vmem_shared>>
      tpu.enqueue_dma source(%arg11 : memref<64x128xf32, #tpu.memory_space<vmem>>) target(%dma_start3A_287 : memref<64x128xf32, #tpu.memory_space<vmem_shared>>) target_semaphore(%run_scoped3A : memref<!tpu.dma_semaphore, #tpu.memory_space<semaphore_mem>>)
      %dma_wait3A_288 = arith.constant 0 : i32
      %dma_wait3A_289 = tpu.memref_slice %arg8[%add3A_11, %dma_wait3A_288] : memref<10240x128xf32, #tpu.memory_space<vmem_shared>> -> memref<64x128xf32, #tpu.memory_space<vmem_shared>>
      %dma_wait3A_290 = arith.constant 0 : i32
      %dma_wait3A_291 = tpu.memref_slice %arg8[%add3A_11, %dma_wait3A_290] : memref<10240x128xf32, #tpu.memory_space<vmem_shared>> -> memref<64x128xf32, #tpu.memory_space<vmem_shared>>
      tpu.wait_dma2 semaphore(%run_scoped3A : memref<!tpu.dma_semaphore, #tpu.memory_space<semaphore_mem>>) src(%arg11 : memref<64x128xf32, #tpu.memory_space<vmem>>) dst(%dma_wait3A_291 : memref<64x128xf32, #tpu.memory_space<vmem_shared>>)
      tpu.yield
    }) : () -> ()
    %add3A_12 = arith.constant 192 : i32
    %add3A_13 = arith.addi %mul3A_2, %add3A_12 : i32
    "tpu.region"() ({
      %run_scoped3A = tpu.sem_alloc : memref<!tpu.dma_semaphore, #tpu.memory_space<semaphore_mem>>
      %dma_start3A_284 = arith.constant 0 : i32
      %dma_start3A_285 = tpu.memref_slice %arg8[%add3A_13, %dma_start3A_284] : memref<10240x128xf32, #tpu.memory_space<vmem_shared>> -> memref<64x128xf32, #tpu.memory_space<vmem_shared>>
      %dma_start3A_286 = arith.constant 0 : i32
      %dma_start3A_287 = tpu.memref_slice %arg8[%add3A_13, %dma_start3A_286] : memref<10240x128xf32, #tpu.memory_space<vmem_shared>> -> memref<64x128xf32, #tpu.memory_space<vmem_shared>>
      tpu.enqueue_dma source(%arg11 : memref<64x128xf32, #tpu.memory_space<vmem>>) target(%dma_start3A_287 : memref<64x128xf32, #tpu.memory_space<vmem_shared>>) target_semaphore(%run_scoped3A : memref<!tpu.dma_semaphore, #tpu.memory_space<semaphore_mem>>)
      %dma_wait3A_288 = arith.constant 0 : i32
      %dma_wait3A_289 = tpu.memref_slice %arg8[%add3A_13, %dma_wait3A_288] : memref<10240x128xf32, #tpu.memory_space<vmem_shared>> -> memref<64x128xf32, #tpu.memory_space<vmem_shared>>
      %dma_wait3A_290 = arith.constant 0 : i32
      %dma_wait3A_291 = tpu.memref_slice %arg8[%add3A_13, %dma_wait3A_290] : memref<10240x128xf32, #tpu.memory_space<vmem_shared>> -> memref<64x128xf32, #tpu.memory_space<vmem_shared>>
      tpu.wait_dma2 semaphore(%run_scoped3A : memref<!tpu.dma_semaphore, #tpu.memory_space<semaphore_mem>>) src(%arg11 : memref<64x128xf32, #tpu.memory_space<vmem>>) dst(%dma_wait3A_291 : memref<64x128xf32, #tpu.memory_space<vmem_shared>>)
      tpu.yield
    }) : () -> ()
    %add3A_14 = arith.constant 256 : i32
    %add3A_15 = arith.addi %mul3A_2, %add3A_14 : i32
    "tpu.region"() ({
      %run_scoped3A = tpu.sem_alloc : memref<!tpu.dma_semaphore, #tpu.memory_space<semaphore_mem>>
      %dma_start3A_284 = arith.constant 0 : i32
      %dma_start3A_285 = tpu.memref_slice %arg8[%add3A_15, %dma_start3A_284] : memref<10240x128xf32, #tpu.memory_space<vmem_shared>> -> memref<64x128xf32, #tpu.memory_space<vmem_shared>>
      %dma_start3A_286 = arith.constant 0 : i32
      %dma_start3A_287 = tpu.memref_slice %arg8[%add3A_15, %dma_start3A_286] : memref<10240x128xf32, #tpu.memory_space<vmem_shared>> -> memref<64x128xf32, #tpu.memory_space<vmem_shared>>
      tpu.enqueue_dma source(%arg11 : memref<64x128xf32, #tpu.memory_space<vmem>>) target(%dma_start3A_287 : memref<64x128xf32, #tpu.memory_space<vmem_shared>>) target_semaphore(%run_scoped3A : memref<!tpu.dma_semaphore, #tpu.memory_space<semaphore_mem>>)
      %dma_wait3A_288 = arith.constant 0 : i32
      %dma_wait3A_289 = tpu.memref_slice %arg8[%add3A_15, %dma_wait3A_288] : memref<10240x128xf32, #tpu.memory_space<vmem_shared>> -> memref<64x128xf32, #tpu.memory_space<vmem_shared>>
      %dma_wait3A_290 = arith.constant 0 : i32
      %dma_wait3A_291 = tpu.memref_slice %arg8[%add3A_15, %dma_wait3A_290] : memref<10240x128xf32, #tpu.memory_space<vmem_shared>> -> memref<64x128xf32, #tpu.memory_space<vmem_shared>>
      tpu.wait_dma2 semaphore(%run_scoped3A : memref<!tpu.dma_semaphore, #tpu.memory_space<semaphore_mem>>) src(%arg11 : memref<64x128xf32, #tpu.memory_space<vmem>>) dst(%dma_wait3A_291 : memref<64x128xf32, #tpu.memory_space<vmem_shared>>)
      tpu.yield
    }) : () -> ()
    %add3A_16 = arith.constant 320 : i32
    %add3A_17 = arith.addi %mul3A_2, %add3A_16 : i32
    "tpu.region"() ({
      %run_scoped3A = tpu.sem_alloc : memref<!tpu.dma_semaphore, #tpu.memory_space<semaphore_mem>>
      %dma_start3A_284 = arith.constant 0 : i32
      %dma_start3A_285 = tpu.memref_slice %arg8[%add3A_17, %dma_start3A_284] : memref<10240x128xf32, #tpu.memory_space<vmem_shared>> -> memref<64x128xf32, #tpu.memory_space<vmem_shared>>
      %dma_start3A_286 = arith.constant 0 : i32
      %dma_start3A_287 = tpu.memref_slice %arg8[%add3A_17, %dma_start3A_286] : memref<10240x128xf32, #tpu.memory_space<vmem_shared>> -> memref<64x128xf32, #tpu.memory_space<vmem_shared>>
      tpu.enqueue_dma source(%arg11 : memref<64x128xf32, #tpu.memory_space<vmem>>) target(%dma_start3A_287 : memref<64x128xf32, #tpu.memory_space<vmem_shared>>) target_semaphore(%run_scoped3A : memref<!tpu.dma_semaphore, #tpu.memory_space<semaphore_mem>>)
      %dma_wait3A_288 = arith.constant 0 : i32
      %dma_wait3A_289 = tpu.memref_slice %arg8[%add3A_17, %dma_wait3A_288] : memref<10240x128xf32, #tpu.memory_space<vmem_shared>> -> memref<64x128xf32, #tpu.memory_space<vmem_shared>>
      %dma_wait3A_290 = arith.constant 0 : i32
      %dma_wait3A_291 = tpu.memref_slice %arg8[%add3A_17, %dma_wait3A_290] : memref<10240x128xf32, #tpu.memory_space<vmem_shared>> -> memref<64x128xf32, #tpu.memory_space<vmem_shared>>
      tpu.wait_dma2 semaphore(%run_scoped3A : memref<!tpu.dma_semaphore, #tpu.memory_space<semaphore_mem>>) src(%arg11 : memref<64x128xf32, #tpu.memory_space<vmem>>) dst(%dma_wait3A_291 : memref<64x128xf32, #tpu.memory_space<vmem_shared>>)
      tpu.yield
    }) : () -> ()
    %add3A_18 = arith.constant 384 : i32
    %add3A_19 = arith.addi %mul3A_2, %add3A_18 : i32
    "tpu.region"() ({
      %run_scoped3A = tpu.sem_alloc : memref<!tpu.dma_semaphore, #tpu.memory_space<semaphore_mem>>
      %dma_start3A_284 = arith.constant 0 : i32
      %dma_start3A_285 = tpu.memref_slice %arg8[%add3A_19, %dma_start3A_284] : memref<10240x128xf32, #tpu.memory_space<vmem_shared>> -> memref<64x128xf32, #tpu.memory_space<vmem_shared>>
      %dma_start3A_286 = arith.constant 0 : i32
      %dma_start3A_287 = tpu.memref_slice %arg8[%add3A_19, %dma_start3A_286] : memref<10240x128xf32, #tpu.memory_space<vmem_shared>> -> memref<64x128xf32, #tpu.memory_space<vmem_shared>>
      tpu.enqueue_dma source(%arg11 : memref<64x128xf32, #tpu.memory_space<vmem>>) target(%dma_start3A_287 : memref<64x128xf32, #tpu.memory_space<vmem_shared>>) target_semaphore(%run_scoped3A : memref<!tpu.dma_semaphore, #tpu.memory_space<semaphore_mem>>)
      %dma_wait3A_288 = arith.constant 0 : i32
      %dma_wait3A_289 = tpu.memref_slice %arg8[%add3A_19, %dma_wait3A_288] : memref<10240x128xf32, #tpu.memory_space<vmem_shared>> -> memref<64x128xf32, #tpu.memory_space<vmem_shared>>
      %dma_wait3A_290 = arith.constant 0 : i32
      %dma_wait3A_291 = tpu.memref_slice %arg8[%add3A_19, %dma_wait3A_290] : memref<10240x128xf32, #tpu.memory_space<vmem_shared>> -> memref<64x128xf32, #tpu.memory_space<vmem_shared>>
      tpu.wait_dma2 semaphore(%run_scoped3A : memref<!tpu.dma_semaphore, #tpu.memory_space<semaphore_mem>>) src(%arg11 : memref<64x128xf32, #tpu.memory_space<vmem>>) dst(%dma_wait3A_291 : memref<64x128xf32, #tpu.memory_space<vmem_shared>>)
      tpu.yield
    }) : () -> ()
    %add3A_20 = arith.constant 448 : i32
    %add3A_21 = arith.addi %mul3A_2, %add3A_20 : i32
    "tpu.region"() ({
      %run_scoped3A = tpu.sem_alloc : memref<!tpu.dma_semaphore, #tpu.memory_space<semaphore_mem>>
      %dma_start3A_284 = arith.constant 0 : i32
      %dma_start3A_285 = tpu.memref_slice %arg8[%add3A_21, %dma_start3A_284] : memref<10240x128xf32, #tpu.memory_space<vmem_shared>> -> memref<64x128xf32, #tpu.memory_space<vmem_shared>>
      %dma_start3A_286 = arith.constant 0 : i32
      %dma_start3A_287 = tpu.memref_slice %arg8[%add3A_21, %dma_start3A_286] : memref<10240x128xf32, #tpu.memory_space<vmem_shared>> -> memref<64x128xf32, #tpu.memory_space<vmem_shared>>
      tpu.enqueue_dma source(%arg11 : memref<64x128xf32, #tpu.memory_space<vmem>>) target(%dma_start3A_287 : memref<64x128xf32, #tpu.memory_space<vmem_shared>>) target_semaphore(%run_scoped3A : memref<!tpu.dma_semaphore, #tpu.memory_space<semaphore_mem>>)
      %dma_wait3A_288 = arith.constant 0 : i32
      %dma_wait3A_289 = tpu.memref_slice %arg8[%add3A_21, %dma_wait3A_288] : memref<10240x128xf32, #tpu.memory_space<vmem_shared>> -> memref<64x128xf32, #tpu.memory_space<vmem_shared>>
      %dma_wait3A_290 = arith.constant 0 : i32
      %dma_wait3A_291 = tpu.memref_slice %arg8[%add3A_21, %dma_wait3A_290] : memref<10240x128xf32, #tpu.memory_space<vmem_shared>> -> memref<64x128xf32, #tpu.memory_space<vmem_shared>>
      tpu.wait_dma2 semaphore(%run_scoped3A : memref<!tpu.dma_semaphore, #tpu.memory_space<semaphore_mem>>) src(%arg11 : memref<64x128xf32, #tpu.memory_space<vmem>>) dst(%dma_wait3A_291 : memref<64x128xf32, #tpu.memory_space<vmem_shared>>)
      tpu.yield
    }) : () -> ()
    %add3A_22 = arith.constant 512 : i32
    %add3A_23 = arith.addi %mul3A_2, %add3A_22 : i32
    "tpu.region"() ({
      %run_scoped3A = tpu.sem_alloc : memref<!tpu.dma_semaphore, #tpu.memory_space<semaphore_mem>>
      %dma_start3A_284 = arith.constant 0 : i32
      %dma_start3A_285 = tpu.memref_slice %arg8[%add3A_23, %dma_start3A_284] : memref<10240x128xf32, #tpu.memory_space<vmem_shared>> -> memref<64x128xf32, #tpu.memory_space<vmem_shared>>
      %dma_start3A_286 = arith.constant 0 : i32
      %dma_start3A_287 = tpu.memref_slice %arg8[%add3A_23, %dma_start3A_286] : memref<10240x128xf32, #tpu.memory_space<vmem_shared>> -> memref<64x128xf32, #tpu.memory_space<vmem_shared>>
      tpu.enqueue_dma source(%arg11 : memref<64x128xf32, #tpu.memory_space<vmem>>) target(%dma_start3A_287 : memref<64x128xf32, #tpu.memory_space<vmem_shared>>) target_semaphore(%run_scoped3A : memref<!tpu.dma_semaphore, #tpu.memory_space<semaphore_mem>>)
      %dma_wait3A_288 = arith.constant 0 : i32
      %dma_wait3A_289 = tpu.memref_slice %arg8[%add3A_23, %dma_wait3A_288] : memref<10240x128xf32, #tpu.memory_space<vmem_shared>> -> memref<64x128xf32, #tpu.memory_space<vmem_shared>>
      %dma_wait3A_290 = arith.constant 0 : i32
      %dma_wait3A_291 = tpu.memref_slice %arg8[%add3A_23, %dma_wait3A_290] : memref<10240x128xf32, #tpu.memory_space<vmem_shared>> -> memref<64x128xf32, #tpu.memory_space<vmem_shared>>
      tpu.wait_dma2 semaphore(%run_scoped3A : memref<!tpu.dma_semaphore, #tpu.memory_space<semaphore_mem>>) src(%arg11 : memref<64x128xf32, #tpu.memory_space<vmem>>) dst(%dma_wait3A_291 : memref<64x128xf32, #tpu.memory_space<vmem_shared>>)
      tpu.yield
    }) : () -> ()
    %add3A_24 = arith.constant 576 : i32
    %add3A_25 = arith.addi %mul3A_2, %add3A_24 : i32
    "tpu.region"() ({
      %run_scoped3A = tpu.sem_alloc : memref<!tpu.dma_semaphore, #tpu.memory_space<semaphore_mem>>
      %dma_start3A_284 = arith.constant 0 : i32
      %dma_start3A_285 = tpu.memref_slice %arg8[%add3A_25, %dma_start3A_284] : memref<10240x128xf32, #tpu.memory_space<vmem_shared>> -> memref<64x128xf32, #tpu.memory_space<vmem_shared>>
      %dma_start3A_286 = arith.constant 0 : i32
      %dma_start3A_287 = tpu.memref_slice %arg8[%add3A_25, %dma_start3A_286] : memref<10240x128xf32, #tpu.memory_space<vmem_shared>> -> memref<64x128xf32, #tpu.memory_space<vmem_shared>>
      tpu.enqueue_dma source(%arg11 : memref<64x128xf32, #tpu.memory_space<vmem>>) target(%dma_start3A_287 : memref<64x128xf32, #tpu.memory_space<vmem_shared>>) target_semaphore(%run_scoped3A : memref<!tpu.dma_semaphore, #tpu.memory_space<semaphore_mem>>)
      %dma_wait3A_288 = arith.constant 0 : i32
      %dma_wait3A_289 = tpu.memref_slice %arg8[%add3A_25, %dma_wait3A_288] : memref<10240x128xf32, #tpu.memory_space<vmem_shared>> -> memref<64x128xf32, #tpu.memory_space<vmem_shared>>
      %dma_wait3A_290 = arith.constant 0 : i32
      %dma_wait3A_291 = tpu.memref_slice %arg8[%add3A_25, %dma_wait3A_290] : memref<10240x128xf32, #tpu.memory_space<vmem_shared>> -> memref<64x128xf32, #tpu.memory_space<vmem_shared>>
      tpu.wait_dma2 semaphore(%run_scoped3A : memref<!tpu.dma_semaphore, #tpu.memory_space<semaphore_mem>>) src(%arg11 : memref<64x128xf32, #tpu.memory_space<vmem>>) dst(%dma_wait3A_291 : memref<64x128xf32, #tpu.memory_space<vmem_shared>>)
      tpu.yield
    }) : () -> ()
    %scan3A = arith.constant 0 : i32
    %scan3A_26 = arith.constant 640 : i32
    %scan3A_27 = arith.addi %scan3A, %scan3A_26 : i32
    %scan3A_28 = arith.constant 1 : i32
    scf.for %scan3A_284 = %scan3A to %scan3A_27 step %scan3A_28  : i32 {
      %mul3A_285 = arith.constant 1 : i32
      %mul3A_286 = arith.muli %scan3A_284, %mul3A_285 : i32
      %add3A_287 = arith.constant 0 : i32
      %add3A_288 = arith.addi %add3A_287, %mul3A_286 : i32
      %mul3A_289 = arith.constant 16 : i32
      %mul3A_290 = arith.muli %add3A_288, %mul3A_289 : i32
      %swap3A = arith.index_cast %mul3A_290 : i32 to index
      %swap3A_291 = tpu.vector_load %arg15[%swap3A] {strides = array<i32>} : memref<10240xf32, #tpu.memory_space<vmem>>, vector<16xf32>,
      tpu.vector_store %arg15[%swap3A], %broadcast_in_dim3A_5 {strides = array<i32>} : memref<10240xf32, #tpu.memory_space<vmem>>, vector<16xf32>,
    }
    %scan3A_29 = arith.constant 640 : i32
    %barrier3A = arith.constant 0 : index
    tpu.barrier barrier_id(%barrier3A)
    %add3A_30 = arith.constant 0 : i32
    %add3A_31 = arith.addi %add3A, %add3A_30 : i32
    %dma_start3A = arith.constant 0 : i32
    %dma_start3A_32 = arith.constant 0 : i32
    %dma_start3A_33 = tpu.memref_slice %arg3[%add3A_31, %dma_start3A, %dma_start3A_32] : memref<5088x3x64xi32, #tpu.memory_space<hbm>> -> memref<1x3x64xi32, #tpu.memory_space<hbm>>
    %dma_start3A_34 = tpu.memref_squeeze %dma_start3A_33 : memref<1x3x64xi32, #tpu.memory_space<hbm>> -> memref<3x64xi32, #tpu.memory_space<hbm>>
    %dma_start3A_35 = arith.constant 0 : i32
    %dma_start3A_36 = arith.constant 0 : i32
    %dma_start3A_37 = tpu.memref_slice %arg3[%add3A_31, %dma_start3A_35, %dma_start3A_36] : memref<5088x3x64xi32, #tpu.memory_space<hbm>> -> memref<1x3x64xi32, #tpu.memory_space<hbm>>
    %dma_start3A_38 = tpu.memref_squeeze %dma_start3A_37 : memref<1x3x64xi32, #tpu.memory_space<hbm>> -> memref<3x64xi32, #tpu.memory_space<hbm>>
    tpu.enqueue_dma source(%dma_start3A_38 : memref<3x64xi32, #tpu.memory_space<hbm>>) target(%arg9 : memref<3x64xi32, #tpu.memory_space<vmem>>) target_semaphore(%arg16 : memref<!tpu.dma_semaphore, #tpu.memory_space<semaphore_mem>>)
    %dma_wait3A = arith.constant 0 : i32
    %dma_wait3A_39 = arith.constant 0 : i32
    %dma_wait3A_40 = tpu.memref_slice %arg3[%add3A_31, %dma_wait3A, %dma_wait3A_39] : memref<5088x3x64xi32, #tpu.memory_space<hbm>> -> memref<1x3x64xi32, #tpu.memory_space<hbm>>
    %dma_wait3A_41 = tpu.memref_squeeze %dma_wait3A_40 : memref<1x3x64xi32, #tpu.memory_space<hbm>> -> memref<3x64xi32, #tpu.memory_space<hbm>>
    %dma_wait3A_42 = arith.constant 0 : i32
    %dma_wait3A_43 = arith.constant 0 : i32
    %dma_wait3A_44 = tpu.memref_slice %arg3[%add3A_31, %dma_wait3A_42, %dma_wait3A_43] : memref<5088x3x64xi32, #tpu.memory_space<hbm>> -> memref<1x3x64xi32, #tpu.memory_space<hbm>>
    %dma_wait3A_45 = tpu.memref_squeeze %dma_wait3A_44 : memref<1x3x64xi32, #tpu.memory_space<hbm>> -> memref<3x64xi32, #tpu.memory_space<hbm>>
    tpu.wait_dma2 semaphore(%arg16 : memref<!tpu.dma_semaphore, #tpu.memory_space<semaphore_mem>>) src(%dma_wait3A_45 : memref<3x64xi32, #tpu.memory_space<hbm>>) dst(%arg9 : memref<3x64xi32, #tpu.memory_space<vmem>>)
    %dma_start3A_46 = arith.constant 0 : i32
    %dma_start3A_47 = arith.constant 0 : i32
    %dma_start3A_48 = tpu.memref_slice %arg9[%dma_start3A_46, %dma_start3A_47] : memref<3x64xi32, #tpu.memory_space<vmem>> -> memref<1x64xi32, #tpu.memory_space<vmem>>
    %dma_start3A_49 = tpu.memref_squeeze %dma_start3A_48 : memref<1x64xi32, #tpu.memory_space<vmem>> -> memref<64xi32, #tpu.memory_space<vmem>>
    %dma_start3A_50 = arith.constant 0 : i32
    %dma_start3A_51 = arith.constant 0 : i32
    %dma_start3A_52 = tpu.memref_slice %arg2[%dma_start3A_50, %dma_start3A_51] : memref<10000x128xf32, #tpu.memory_space<hbm>> -> memref<10000x128xf32, #tpu.memory_space<hbm>>
    tpu.enqueue_indirect_dma source(%dma_start3A_52 : memref<10000x128xf32, #tpu.memory_space<hbm>>) target(%arg11 : memref<64x128xf32, #tpu.memory_space<vmem>>) offsets(%dma_start3A_49 : memref<64xi32, #tpu.memory_space<vmem>>) semaphore(%arg18 : memref<!tpu.dma_semaphore, #tpu.memory_space<semaphore_mem>>)
    %dma_start3A_53 = arith.constant 1 : i32
    %dma_start3A_54 = arith.constant 0 : i32
    %dma_start3A_55 = tpu.memref_slice %arg9[%dma_start3A_53, %dma_start3A_54] : memref<3x64xi32, #tpu.memory_space<vmem>> -> memref<1x64xi32, #tpu.memory_space<vmem>>
    %dma_start3A_56 = tpu.memref_squeeze %dma_start3A_55 : memref<1x64xi32, #tpu.memory_space<vmem>> -> memref<64xi32, #tpu.memory_space<vmem>>
    %dma_start3A_57 = arith.constant 0 : i32
    %dma_start3A_58 = arith.constant 0 : i32
    %dma_start3A_59 = tpu.memref_slice %arg4[%dma_start3A_57, %dma_start3A_58] : memref<512x128xf32, #tpu.memory_space<hbm>> -> memref<512x128xf32, #tpu.memory_space<hbm>>
    tpu.enqueue_indirect_dma source(%dma_start3A_59 : memref<512x128xf32, #tpu.memory_space<hbm>>) target(%arg13 : memref<64x128xf32, #tpu.memory_space<vmem>>) offsets(%dma_start3A_56 : memref<64xi32, #tpu.memory_space<vmem>>) semaphore(%arg18 : memref<!tpu.dma_semaphore, #tpu.memory_space<semaphore_mem>>)
    %add3A_60 = arith.constant 32 : i32
    %add3A_61 = arith.addi %add3A, %add3A_60 : i32
    %dma_start3A_62 = arith.constant 0 : i32
    %dma_start3A_63 = arith.constant 0 : i32
    %dma_start3A_64 = tpu.memref_slice %arg3[%add3A_61, %dma_start3A_62, %dma_start3A_63] : memref<5088x3x64xi32, #tpu.memory_space<hbm>> -> memref<1x3x64xi32, #tpu.memory_space<hbm>>
    %dma_start3A_65 = tpu.memref_squeeze %dma_start3A_64 : memref<1x3x64xi32, #tpu.memory_space<hbm>> -> memref<3x64xi32, #tpu.memory_space<hbm>>
    %dma_start3A_66 = arith.constant 0 : i32
    %dma_start3A_67 = arith.constant 0 : i32
    %dma_start3A_68 = tpu.memref_slice %arg3[%add3A_61, %dma_start3A_66, %dma_start3A_67] : memref<5088x3x64xi32, #tpu.memory_space<hbm>> -> memref<1x3x64xi32, #tpu.memory_space<hbm>>
    %dma_start3A_69 = tpu.memref_squeeze %dma_start3A_68 : memref<1x3x64xi32, #tpu.memory_space<hbm>> -> memref<3x64xi32, #tpu.memory_space<hbm>>
    tpu.enqueue_dma source(%dma_start3A_69 : memref<3x64xi32, #tpu.memory_space<hbm>>) target(%arg10 : memref<3x64xi32, #tpu.memory_space<vmem>>) target_semaphore(%arg17 : memref<!tpu.dma_semaphore, #tpu.memory_space<semaphore_mem>>)
    %scan3A_70 = arith.constant 0 : i32
    %scan3A_71 = arith.constant 78 : i32
    %scan3A_72 = arith.addi %scan3A_70, %scan3A_71 : i32
    %scan3A_73 = arith.constant 1 : i32
    scf.for %scan3A_284 = %scan3A_70 to %scan3A_72 step %scan3A_73  : i32 {
      %mul3A_285 = arith.constant 1 : i32
      %mul3A_286 = arith.muli %scan3A_284, %mul3A_285 : i32
      %add3A_287 = arith.constant 0 : i32
      %add3A_288 = arith.addi %add3A_287, %mul3A_286 : i32
      %mul3A_289 = arith.constant 2 : i32
      %mul3A_290 = arith.muli %mul3A_289, %add3A_288 : i32
      %dma_wait3A_291 = arith.constant 0 : i32
      %dma_wait3A_292 = arith.constant 0 : i32
      %dma_wait3A_293 = tpu.memref_slice %arg9[%dma_wait3A_291, %dma_wait3A_292] : memref<3x64xi32, #tpu.memory_space<vmem>> -> memref<1x64xi32, #tpu.memory_space<vmem>>
      %dma_wait3A_294 = tpu.memref_squeeze %dma_wait3A_293 : memref<1x64xi32, #tpu.memory_space<vmem>> -> memref<64xi32, #tpu.memory_space<vmem>>
      %dma_wait3A_295 = arith.constant 0 : i32
      %dma_wait3A_296 = arith.constant 0 : i32
      %dma_wait3A_297 = tpu.memref_slice %arg2[%dma_wait3A_295, %dma_wait3A_296] : memref<10000x128xf32, #tpu.memory_space<hbm>> -> memref<10000x128xf32, #tpu.memory_space<hbm>>
      tpu.wait_indirect_dma semaphore(%arg18 : memref<!tpu.dma_semaphore, #tpu.memory_space<semaphore_mem>>) src(%dma_wait3A_297 : memref<10000x128xf32, #tpu.memory_space<hbm>>) dst(%arg11 : memref<64x128xf32, #tpu.memory_space<vmem>>)
      %dma_wait3A_298 = arith.constant 1 : i32
      %dma_wait3A_299 = arith.constant 0 : i32
      %dma_wait3A_300 = tpu.memref_slice %arg9[%dma_wait3A_298, %dma_wait3A_299] : memref<3x64xi32, #tpu.memory_space<vmem>> -> memref<1x64xi32, #tpu.memory_space<vmem>>
      %dma_wait3A_301 = tpu.memref_squeeze %dma_wait3A_300 : memref<1x64xi32, #tpu.memory_space<vmem>> -> memref<64xi32, #tpu.memory_space<vmem>>
      %dma_wait3A_302 = arith.constant 0 : i32
      %dma_wait3A_303 = arith.constant 0 : i32
      %dma_wait3A_304 = tpu.memref_slice %arg4[%dma_wait3A_302, %dma_wait3A_303] : memref<512x128xf32, #tpu.memory_space<hbm>> -> memref<512x128xf32, #tpu.memory_space<hbm>>
      tpu.wait_indirect_dma semaphore(%arg18 : memref<!tpu.dma_semaphore, #tpu.memory_space<semaphore_mem>>) src(%dma_wait3A_304 : memref<512x128xf32, #tpu.memory_space<hbm>>) dst(%arg13 : memref<64x128xf32, #tpu.memory_space<vmem>>)
      %dma_wait3A_305 = arith.constant 0 : i32
      %dma_wait3A_306 = arith.constant 0 : i32
      %dma_wait3A_307 = arith.constant 0 : i32
      %dma_wait3A_308 = tpu.memref_slice %arg3[%dma_wait3A_305, %dma_wait3A_306, %dma_wait3A_307] : memref<5088x3x64xi32, #tpu.memory_space<hbm>> -> memref<1x3x64xi32, #tpu.memory_space<hbm>>
      %dma_wait3A_309 = tpu.memref_squeeze %dma_wait3A_308 : memref<1x3x64xi32, #tpu.memory_space<hbm>> -> memref<3x64xi32, #tpu.memory_space<hbm>>
      %dma_wait3A_310 = arith.constant 0 : i32
      %dma_wait3A_311 = arith.constant 0 : i32
      %dma_wait3A_312 = tpu.memref_slice %arg3[%dma_wait3A_305, %dma_wait3A_310, %dma_wait3A_311] : memref<5088x3x64xi32, #tpu.memory_space<hbm>> -> memref<1x3x64xi32, #tpu.memory_space<hbm>>
      %dma_wait3A_313 = tpu.memref_squeeze %dma_wait3A_312 : memref<1x3x64xi32, #tpu.memory_space<hbm>> -> memref<3x64xi32, #tpu.memory_space<hbm>>
      tpu.wait_dma2 semaphore(%arg17 : memref<!tpu.dma_semaphore, #tpu.memory_space<semaphore_mem>>) src(%dma_wait3A_313 : memref<3x64xi32, #tpu.memory_space<hbm>>) dst(%arg10 : memref<3x64xi32, #tpu.memory_space<vmem>>)
      %dma_start3A_314 = arith.constant 0 : i32
      %dma_start3A_315 = arith.constant 0 : i32
      %dma_start3A_316 = tpu.memref_slice %arg10[%dma_start3A_314, %dma_start3A_315] : memref<3x64xi32, #tpu.memory_space<vmem>> -> memref<1x64xi32, #tpu.memory_space<vmem>>
      %dma_start3A_317 = tpu.memref_squeeze %dma_start3A_316 : memref<1x64xi32, #tpu.memory_space<vmem>> -> memref<64xi32, #tpu.memory_space<vmem>>
      %dma_start3A_318 = arith.constant 0 : i32
      %dma_start3A_319 = arith.constant 0 : i32
      %dma_start3A_320 = tpu.memref_slice %arg2[%dma_start3A_318, %dma_start3A_319] : memref<10000x128xf32, #tpu.memory_space<hbm>> -> memref<10000x128xf32, #tpu.memory_space<hbm>>
      tpu.enqueue_indirect_dma source(%dma_start3A_320 : memref<10000x128xf32, #tpu.memory_space<hbm>>) target(%arg12 : memref<64x128xf32, #tpu.memory_space<vmem>>) offsets(%dma_start3A_317 : memref<64xi32, #tpu.memory_space<vmem>>) semaphore(%arg19 : memref<!tpu.dma_semaphore, #tpu.memory_space<semaphore_mem>>)
      %dma_start3A_321 = arith.constant 1 : i32
      %dma_start3A_322 = arith.constant 0 : i32
      %dma_start3A_323 = tpu.memref_slice %arg10[%dma_start3A_321, %dma_start3A_322] : memref<3x64xi32, #tpu.memory_space<vmem>> -> memref<1x64xi32, #tpu.memory_space<vmem>>
      %dma_start3A_324 = tpu.memref_squeeze %dma_start3A_323 : memref<1x64xi32, #tpu.memory_space<vmem>> -> memref<64xi32, #tpu.memory_space<vmem>>
      %dma_start3A_325 = arith.constant 0 : i32
      %dma_start3A_326 = arith.constant 0 : i32
      %dma_start3A_327 = tpu.memref_slice %arg4[%dma_start3A_325, %dma_start3A_326] : memref<512x128xf32, #tpu.memory_space<hbm>> -> memref<512x128xf32, #tpu.memory_space<hbm>>
      tpu.enqueue_indirect_dma source(%dma_start3A_327 : memref<512x128xf32, #tpu.memory_space<hbm>>) target(%arg14 : memref<64x128xf32, #tpu.memory_space<vmem>>) offsets(%dma_start3A_324 : memref<64xi32, #tpu.memory_space<vmem>>) semaphore(%arg19 : memref<!tpu.dma_semaphore, #tpu.memory_space<semaphore_mem>>)
      %dma_start3A_328 = arith.constant 2 : i32
      %dma_start3A_329 = arith.constant 0 : i32
      %dma_start3A_330 = tpu.memref_slice %arg9[%dma_start3A_328, %dma_start3A_329] : memref<3x64xi32, #tpu.memory_space<vmem>> -> memref<1x64xi32, #tpu.memory_space<vmem>>
      %dma_start3A_331 = tpu.memref_squeeze %dma_start3A_330 : memref<1x64xi32, #tpu.memory_space<vmem>> -> memref<64xi32, #tpu.memory_space<vmem>>
      %dma_start3A_332 = arith.constant 0 : i32
      %dma_start3A_333 = arith.constant 0 : i32
      %dma_start3A_334 = tpu.memref_slice %arg8[%dma_start3A_332, %dma_start3A_333] : memref<10240x128xf32, #tpu.memory_space<vmem_shared>> -> memref<10240x128xf32, #tpu.memory_space<vmem_shared>>
      tpu.enqueue_indirect_dma source(%arg11 : memref<64x128xf32, #tpu.memory_space<vmem>>) target(%dma_start3A_334 : memref<10240x128xf32, #tpu.memory_space<vmem_shared>>) offsets(%dma_start3A_331 : memref<64xi32, #tpu.memory_space<vmem>>) semaphore(%arg20 : memref<!tpu.dma_semaphore, #tpu.memory_space<semaphore_mem>>) {add = true}
      %dma_start3A_335 = arith.constant 2 : i32
      %dma_start3A_336 = arith.constant 0 : i32
      %dma_start3A_337 = tpu.memref_slice %arg9[%dma_start3A_335, %dma_start3A_336] : memref<3x64xi32, #tpu.memory_space<vmem>> -> memref<1x64xi32, #tpu.memory_space<vmem>>
      %dma_start3A_338 = tpu.memref_squeeze %dma_start3A_337 : memref<1x64xi32, #tpu.memory_space<vmem>> -> memref<64xi32, #tpu.memory_space<vmem>>
      %dma_start3A_339 = arith.constant 0 : i32
      %dma_start3A_340 = arith.constant 0 : i32
      %dma_start3A_341 = tpu.memref_slice %arg8[%dma_start3A_339, %dma_start3A_340] : memref<10240x128xf32, #tpu.memory_space<vmem_shared>> -> memref<10240x128xf32, #tpu.memory_space<vmem_shared>>
      tpu.enqueue_indirect_dma source(%arg13 : memref<64x128xf32, #tpu.memory_space<vmem>>) target(%dma_start3A_341 : memref<10240x128xf32, #tpu.memory_space<vmem_shared>>) offsets(%dma_start3A_338 : memref<64xi32, #tpu.memory_space<vmem>>) semaphore(%arg21 : memref<!tpu.dma_semaphore, #tpu.memory_space<semaphore_mem>>) {add = true}
      %get3A_342 = arith.constant 2 : i32
      %get3A_343 = arith.index_cast %get3A_342 : i32 to index
      %get3A_344 = arith.constant 0 : index
      %get3A_345 = tpu.vector_load %arg9[%get3A_343, %get3A_344] {strides = array<i32>} : memref<3x64xi32, #tpu.memory_space<vmem>>, vector<16xi32>,
      tpu.vector_store_idx %arg15[%get3A_345], %broadcast_in_dim3A_3 {add = true} : memref<10240xf32, #tpu.memory_space<vmem>>[vector<16xi32>], vector<16xf32>,
      %get3A_346 = arith.constant 2 : i32
      %get3A_347 = arith.index_cast %get3A_346 : i32 to index
      %get3A_348 = arith.constant 16 : index
      %get3A_349 = tpu.vector_load %arg9[%get3A_347, %get3A_348] {strides = array<i32>} : memref<3x64xi32, #tpu.memory_space<vmem>>, vector<16xi32>,
      tpu.vector_store_idx %arg15[%get3A_349], %broadcast_in_dim3A_3 {add = true} : memref<10240xf32, #tpu.memory_space<vmem>>[vector<16xi32>], vector<16xf32>,
      %get3A_350 = arith.constant 2 : i32
      %get3A_351 = arith.index_cast %get3A_350 : i32 to index
      %get3A_352 = arith.constant 32 : index
      %get3A_353 = tpu.vector_load %arg9[%get3A_351, %get3A_352] {strides = array<i32>} : memref<3x64xi32, #tpu.memory_space<vmem>>, vector<16xi32>,
      tpu.vector_store_idx %arg15[%get3A_353], %broadcast_in_dim3A_3 {add = true} : memref<10240xf32, #tpu.memory_space<vmem>>[vector<16xi32>], vector<16xf32>,
      %get3A_354 = arith.constant 2 : i32
      %get3A_355 = arith.index_cast %get3A_354 : i32 to index
      %get3A_356 = arith.constant 48 : index
      %get3A_357 = tpu.vector_load %arg9[%get3A_355, %get3A_356] {strides = array<i32>} : memref<3x64xi32, #tpu.memory_space<vmem>>, vector<16xi32>,
      tpu.vector_store_idx %arg15[%get3A_357], %broadcast_in_dim3A_3 {add = true} : memref<10240xf32, #tpu.memory_space<vmem>>[vector<16xi32>], vector<16xf32>,
      %dma_wait3A_358 = arith.constant 2 : i32
      %dma_wait3A_359 = arith.constant 0 : i32
      %dma_wait3A_360 = tpu.memref_slice %arg9[%dma_wait3A_358, %dma_wait3A_359] : memref<3x64xi32, #tpu.memory_space<vmem>> -> memref<1x64xi32, #tpu.memory_space<vmem>>
      %dma_wait3A_361 = tpu.memref_squeeze %dma_wait3A_360 : memref<1x64xi32, #tpu.memory_space<vmem>> -> memref<64xi32, #tpu.memory_space<vmem>>
      %dma_wait3A_362 = arith.constant 0 : i32
      %dma_wait3A_363 = arith.constant 0 : i32
      %dma_wait3A_364 = tpu.memref_slice %arg8[%dma_wait3A_362, %dma_wait3A_363] : memref<10240x128xf32, #tpu.memory_space<vmem_shared>> -> memref<10240x128xf32, #tpu.memory_space<vmem_shared>>
      tpu.wait_indirect_dma semaphore(%arg20 : memref<!tpu.dma_semaphore, #tpu.memory_space<semaphore_mem>>) src(%arg11 : memref<64x128xf32, #tpu.memory_space<vmem>>) dst(%dma_wait3A_364 : memref<10240x128xf32, #tpu.memory_space<vmem_shared>>)
      %dma_wait3A_365 = arith.constant 2 : i32
      %dma_wait3A_366 = arith.constant 0 : i32
      %dma_wait3A_367 = tpu.memref_slice %arg9[%dma_wait3A_365, %dma_wait3A_366] : memref<3x64xi32, #tpu.memory_space<vmem>> -> memref<1x64xi32, #tpu.memory_space<vmem>>
      %dma_wait3A_368 = tpu.memref_squeeze %dma_wait3A_367 : memref<1x64xi32, #tpu.memory_space<vmem>> -> memref<64xi32, #tpu.memory_space<vmem>>
      %dma_wait3A_369 = arith.constant 0 : i32
      %dma_wait3A_370 = arith.constant 0 : i32
      %dma_wait3A_371 = tpu.memref_slice %arg8[%dma_wait3A_369, %dma_wait3A_370] : memref<10240x128xf32, #tpu.memory_space<vmem_shared>> -> memref<10240x128xf32, #tpu.memory_space<vmem_shared>>
      tpu.wait_indirect_dma semaphore(%arg21 : memref<!tpu.dma_semaphore, #tpu.memory_space<semaphore_mem>>) src(%arg13 : memref<64x128xf32, #tpu.memory_space<vmem>>) dst(%dma_wait3A_371 : memref<10240x128xf32, #tpu.memory_space<vmem_shared>>)
      %add3A_372 = arith.constant 2 : i32
      %add3A_373 = arith.addi %mul3A_290, %add3A_372 : i32
      %mul3A_374 = arith.constant 32 : i32
      %mul3A_375 = arith.muli %add3A_373, %mul3A_374 : i32
      %add3A_376 = arith.addi %add3A, %mul3A_375 : i32
      %dma_start3A_377 = arith.constant 0 : i32
      %dma_start3A_378 = arith.constant 0 : i32
      %dma_start3A_379 = tpu.memref_slice %arg3[%add3A_376, %dma_start3A_377, %dma_start3A_378] : memref<5088x3x64xi32, #tpu.memory_space<hbm>> -> memref<1x3x64xi32, #tpu.memory_space<hbm>>
      %dma_start3A_380 = tpu.memref_squeeze %dma_start3A_379 : memref<1x3x64xi32, #tpu.memory_space<hbm>> -> memref<3x64xi32, #tpu.memory_space<hbm>>
      %dma_start3A_381 = arith.constant 0 : i32
      %dma_start3A_382 = arith.constant 0 : i32
      %dma_start3A_383 = tpu.memref_slice %arg3[%add3A_376, %dma_start3A_381, %dma_start3A_382] : memref<5088x3x64xi32, #tpu.memory_space<hbm>> -> memref<1x3x64xi32, #tpu.memory_space<hbm>>
      %dma_start3A_384 = tpu.memref_squeeze %dma_start3A_383 : memref<1x3x64xi32, #tpu.memory_space<hbm>> -> memref<3x64xi32, #tpu.memory_space<hbm>>
      tpu.enqueue_dma source(%dma_start3A_384 : memref<3x64xi32, #tpu.memory_space<hbm>>) target(%arg9 : memref<3x64xi32, #tpu.memory_space<vmem>>) target_semaphore(%arg16 : memref<!tpu.dma_semaphore, #tpu.memory_space<semaphore_mem>>)
      %dma_wait3A_385 = arith.constant 0 : i32
      %dma_wait3A_386 = arith.constant 0 : i32
      %dma_wait3A_387 = tpu.memref_slice %arg10[%dma_wait3A_385, %dma_wait3A_386] : memref<3x64xi32, #tpu.memory_space<vmem>> -> memref<1x64xi32, #tpu.memory_space<vmem>>
      %dma_wait3A_388 = tpu.memref_squeeze %dma_wait3A_387 : memref<1x64xi32, #tpu.memory_space<vmem>> -> memref<64xi32, #tpu.memory_space<vmem>>
      %dma_wait3A_389 = arith.constant 0 : i32
      %dma_wait3A_390 = arith.constant 0 : i32
      %dma_wait3A_391 = tpu.memref_slice %arg2[%dma_wait3A_389, %dma_wait3A_390] : memref<10000x128xf32, #tpu.memory_space<hbm>> -> memref<10000x128xf32, #tpu.memory_space<hbm>>
      tpu.wait_indirect_dma semaphore(%arg19 : memref<!tpu.dma_semaphore, #tpu.memory_space<semaphore_mem>>) src(%dma_wait3A_391 : memref<10000x128xf32, #tpu.memory_space<hbm>>) dst(%arg12 : memref<64x128xf32, #tpu.memory_space<vmem>>)
      %dma_wait3A_392 = arith.constant 1 : i32
      %dma_wait3A_393 = arith.constant 0 : i32
      %dma_wait3A_394 = tpu.memref_slice %arg10[%dma_wait3A_392, %dma_wait3A_393] : memref<3x64xi32, #tpu.memory_space<vmem>> -> memref<1x64xi32, #tpu.memory_space<vmem>>
      %dma_wait3A_395 = tpu.memref_squeeze %dma_wait3A_394 : memref<1x64xi32, #tpu.memory_space<vmem>> -> memref<64xi32, #tpu.memory_space<vmem>>
      %dma_wait3A_396 = arith.constant 0 : i32
      %dma_wait3A_397 = arith.constant 0 : i32
      %dma_wait3A_398 = tpu.memref_slice %arg4[%dma_wait3A_396, %dma_wait3A_397] : memref<512x128xf32, #tpu.memory_space<hbm>> -> memref<512x128xf32, #tpu.memory_space<hbm>>
      tpu.wait_indirect_dma semaphore(%arg19 : memref<!tpu.dma_semaphore, #tpu.memory_space<semaphore_mem>>) src(%dma_wait3A_398 : memref<512x128xf32, #tpu.memory_space<hbm>>) dst(%arg14 : memref<64x128xf32, #tpu.memory_space<vmem>>)
      %dma_wait3A_399 = arith.constant 0 : i32
      %dma_wait3A_400 = arith.constant 0 : i32
      %dma_wait3A_401 = arith.constant 0 : i32
      %dma_wait3A_402 = tpu.memref_slice %arg3[%dma_wait3A_399, %dma_wait3A_400, %dma_wait3A_401] : memref<5088x3x64xi32, #tpu.memory_space<hbm>> -> memref<1x3x64xi32, #tpu.memory_space<hbm>>
      %dma_wait3A_403 = tpu.memref_squeeze %dma_wait3A_402 : memref<1x3x64xi32, #tpu.memory_space<hbm>> -> memref<3x64xi32, #tpu.memory_space<hbm>>
      %dma_wait3A_404 = arith.constant 0 : i32
      %dma_wait3A_405 = arith.constant 0 : i32
      %dma_wait3A_406 = tpu.memref_slice %arg3[%dma_wait3A_399, %dma_wait3A_404, %dma_wait3A_405] : memref<5088x3x64xi32, #tpu.memory_space<hbm>> -> memref<1x3x64xi32, #tpu.memory_space<hbm>>
      %dma_wait3A_407 = tpu.memref_squeeze %dma_wait3A_406 : memref<1x3x64xi32, #tpu.memory_space<hbm>> -> memref<3x64xi32, #tpu.memory_space<hbm>>
      tpu.wait_dma2 semaphore(%arg16 : memref<!tpu.dma_semaphore, #tpu.memory_space<semaphore_mem>>) src(%dma_wait3A_407 : memref<3x64xi32, #tpu.memory_space<hbm>>) dst(%arg9 : memref<3x64xi32, #tpu.memory_space<vmem>>)
      %dma_start3A_408 = arith.constant 0 : i32
      %dma_start3A_409 = arith.constant 0 : i32
      %dma_start3A_410 = tpu.memref_slice %arg9[%dma_start3A_408, %dma_start3A_409] : memref<3x64xi32, #tpu.memory_space<vmem>> -> memref<1x64xi32, #tpu.memory_space<vmem>>
      %dma_start3A_411 = tpu.memref_squeeze %dma_start3A_410 : memref<1x64xi32, #tpu.memory_space<vmem>> -> memref<64xi32, #tpu.memory_space<vmem>>
      %dma_start3A_412 = arith.constant 0 : i32
      %dma_start3A_413 = arith.constant 0 : i32
      %dma_start3A_414 = tpu.memref_slice %arg2[%dma_start3A_412, %dma_start3A_413] : memref<10000x128xf32, #tpu.memory_space<hbm>> -> memref<10000x128xf32, #tpu.memory_space<hbm>>
      tpu.enqueue_indirect_dma source(%dma_start3A_414 : memref<10000x128xf32, #tpu.memory_space<hbm>>) target(%arg11 : memref<64x128xf32, #tpu.memory_space<vmem>>) offsets(%dma_start3A_411 : memref<64xi32, #tpu.memory_space<vmem>>) semaphore(%arg18 : memref<!tpu.dma_semaphore, #tpu.memory_space<semaphore_mem>>)
      %dma_start3A_415 = arith.constant 1 : i32
      %dma_start3A_416 = arith.constant 0 : i32
      %dma_start3A_417 = tpu.memref_slice %arg9[%dma_start3A_415, %dma_start3A_416] : memref<3x64xi32, #tpu.memory_space<vmem>> -> memref<1x64xi32, #tpu.memory_space<vmem>>
      %dma_start3A_418 = tpu.memref_squeeze %dma_start3A_417 : memref<1x64xi32, #tpu.memory_space<vmem>> -> memref<64xi32, #tpu.memory_space<vmem>>
      %dma_start3A_419 = arith.constant 0 : i32
      %dma_start3A_420 = arith.constant 0 : i32
      %dma_start3A_421 = tpu.memref_slice %arg4[%dma_start3A_419, %dma_start3A_420] : memref<512x128xf32, #tpu.memory_space<hbm>> -> memref<512x128xf32, #tpu.memory_space<hbm>>
      tpu.enqueue_indirect_dma source(%dma_start3A_421 : memref<512x128xf32, #tpu.memory_space<hbm>>) target(%arg13 : memref<64x128xf32, #tpu.memory_space<vmem>>) offsets(%dma_start3A_418 : memref<64xi32, #tpu.memory_space<vmem>>) semaphore(%arg18 : memref<!tpu.dma_semaphore, #tpu.memory_space<semaphore_mem>>)
      %dma_start3A_422 = arith.constant 2 : i32
      %dma_start3A_423 = arith.constant 0 : i32
      %dma_start3A_424 = tpu.memref_slice %arg10[%dma_start3A_422, %dma_start3A_423] : memref<3x64xi32, #tpu.memory_space<vmem>> -> memref<1x64xi32, #tpu.memory_space<vmem>>
      %dma_start3A_425 = tpu.memref_squeeze %dma_start3A_424 : memref<1x64xi32, #tpu.memory_space<vmem>> -> memref<64xi32, #tpu.memory_space<vmem>>
      %dma_start3A_426 = arith.constant 0 : i32
      %dma_start3A_427 = arith.constant 0 : i32
      %dma_start3A_428 = tpu.memref_slice %arg8[%dma_start3A_426, %dma_start3A_427] : memref<10240x128xf32, #tpu.memory_space<vmem_shared>> -> memref<10240x128xf32, #tpu.memory_space<vmem_shared>>
      tpu.enqueue_indirect_dma source(%arg12 : memref<64x128xf32, #tpu.memory_space<vmem>>) target(%dma_start3A_428 : memref<10240x128xf32, #tpu.memory_space<vmem_shared>>) offsets(%dma_start3A_425 : memref<64xi32, #tpu.memory_space<vmem>>) semaphore(%arg20 : memref<!tpu.dma_semaphore, #tpu.memory_space<semaphore_mem>>) {add = true}
      %dma_start3A_429 = arith.constant 2 : i32
      %dma_start3A_430 = arith.constant 0 : i32
      %dma_start3A_431 = tpu.memref_slice %arg10[%dma_start3A_429, %dma_start3A_430] : memref<3x64xi32, #tpu.memory_space<vmem>> -> memref<1x64xi32, #tpu.memory_space<vmem>>
      %dma_start3A_432 = tpu.memref_squeeze %dma_start3A_431 : memref<1x64xi32, #tpu.memory_space<vmem>> -> memref<64xi32, #tpu.memory_space<vmem>>
      %dma_start3A_433 = arith.constant 0 : i32
      %dma_start3A_434 = arith.constant 0 : i32
      %dma_start3A_435 = tpu.memref_slice %arg8[%dma_start3A_433, %dma_start3A_434] : memref<10240x128xf32, #tpu.memory_space<vmem_shared>> -> memref<10240x128xf32, #tpu.memory_space<vmem_shared>>
      tpu.enqueue_indirect_dma source(%arg14 : memref<64x128xf32, #tpu.memory_space<vmem>>) target(%dma_start3A_435 : memref<10240x128xf32, #tpu.memory_space<vmem_shared>>) offsets(%dma_start3A_432 : memref<64xi32, #tpu.memory_space<vmem>>) semaphore(%arg21 : memref<!tpu.dma_semaphore, #tpu.memory_space<semaphore_mem>>) {add = true}
      %get3A_436 = arith.constant 2 : i32
      %get3A_437 = arith.index_cast %get3A_436 : i32 to index
      %get3A_438 = arith.constant 0 : index
      %get3A_439 = tpu.vector_load %arg10[%get3A_437, %get3A_438] {strides = array<i32>} : memref<3x64xi32, #tpu.memory_space<vmem>>, vector<16xi32>,
      tpu.vector_store_idx %arg15[%get3A_439], %broadcast_in_dim3A_3 {add = true} : memref<10240xf32, #tpu.memory_space<vmem>>[vector<16xi32>], vector<16xf32>,
      %get3A_440 = arith.constant 2 : i32
      %get3A_441 = arith.index_cast %get3A_440 : i32 to index
      %get3A_442 = arith.constant 16 : index
      %get3A_443 = tpu.vector_load %arg10[%get3A_441, %get3A_442] {strides = array<i32>} : memref<3x64xi32, #tpu.memory_space<vmem>>, vector<16xi32>,
      tpu.vector_store_idx %arg15[%get3A_443], %broadcast_in_dim3A_3 {add = true} : memref<10240xf32, #tpu.memory_space<vmem>>[vector<16xi32>], vector<16xf32>,
      %get3A_444 = arith.constant 2 : i32
      %get3A_445 = arith.index_cast %get3A_444 : i32 to index
      %get3A_446 = arith.constant 32 : index
      %get3A_447 = tpu.vector_load %arg10[%get3A_445, %get3A_446] {strides = array<i32>} : memref<3x64xi32, #tpu.memory_space<vmem>>, vector<16xi32>,
      tpu.vector_store_idx %arg15[%get3A_447], %broadcast_in_dim3A_3 {add = true} : memref<10240xf32, #tpu.memory_space<vmem>>[vector<16xi32>], vector<16xf32>,
      %get3A_448 = arith.constant 2 : i32
      %get3A_449 = arith.index_cast %get3A_448 : i32 to index
      %get3A_450 = arith.constant 48 : index
      %get3A_451 = tpu.vector_load %arg10[%get3A_449, %get3A_450] {strides = array<i32>} : memref<3x64xi32, #tpu.memory_space<vmem>>, vector<16xi32>,
      tpu.vector_store_idx %arg15[%get3A_451], %broadcast_in_dim3A_3 {add = true} : memref<10240xf32, #tpu.memory_space<vmem>>[vector<16xi32>], vector<16xf32>,
      %dma_wait3A_452 = arith.constant 2 : i32
      %dma_wait3A_453 = arith.constant 0 : i32
      %dma_wait3A_454 = tpu.memref_slice %arg10[%dma_wait3A_452, %dma_wait3A_453] : memref<3x64xi32, #tpu.memory_space<vmem>> -> memref<1x64xi32, #tpu.memory_space<vmem>>
      %dma_wait3A_455 = tpu.memref_squeeze %dma_wait3A_454 : memref<1x64xi32, #tpu.memory_space<vmem>> -> memref<64xi32, #tpu.memory_space<vmem>>
      %dma_wait3A_456 = arith.constant 0 : i32
      %dma_wait3A_457 = arith.constant 0 : i32
      %dma_wait3A_458 = tpu.memref_slice %arg8[%dma_wait3A_456, %dma_wait3A_457] : memref<10240x128xf32, #tpu.memory_space<vmem_shared>> -> memref<10240x128xf32, #tpu.memory_space<vmem_shared>>
      tpu.wait_indirect_dma semaphore(%arg20 : memref<!tpu.dma_semaphore, #tpu.memory_space<semaphore_mem>>) src(%arg12 : memref<64x128xf32, #tpu.memory_space<vmem>>) dst(%dma_wait3A_458 : memref<10240x128xf32, #tpu.memory_space<vmem_shared>>)
      %dma_wait3A_459 = arith.constant 2 : i32
      %dma_wait3A_460 = arith.constant 0 : i32
      %dma_wait3A_461 = tpu.memref_slice %arg10[%dma_wait3A_459, %dma_wait3A_460] : memref<3x64xi32, #tpu.memory_space<vmem>> -> memref<1x64xi32, #tpu.memory_space<vmem>>
      %dma_wait3A_462 = tpu.memref_squeeze %dma_wait3A_461 : memref<1x64xi32, #tpu.memory_space<vmem>> -> memref<64xi32, #tpu.memory_space<vmem>>
      %dma_wait3A_463 = arith.constant 0 : i32
      %dma_wait3A_464 = arith.constant 0 : i32
      %dma_wait3A_465 = tpu.memref_slice %arg8[%dma_wait3A_463, %dma_wait3A_464] : memref<10240x128xf32, #tpu.memory_space<vmem_shared>> -> memref<10240x128xf32, #tpu.memory_space<vmem_shared>>
      tpu.wait_indirect_dma semaphore(%arg21 : memref<!tpu.dma_semaphore, #tpu.memory_space<semaphore_mem>>) src(%arg14 : memref<64x128xf32, #tpu.memory_space<vmem>>) dst(%dma_wait3A_465 : memref<10240x128xf32, #tpu.memory_space<vmem_shared>>)
      %add3A_466 = arith.constant 3 : i32
      %add3A_467 = arith.addi %mul3A_290, %add3A_466 : i32
      %mul3A_468 = arith.constant 32 : i32
      %mul3A_469 = arith.muli %add3A_467, %mul3A_468 : i32
      %add3A_470 = arith.addi %add3A, %mul3A_469 : i32
      %dma_start3A_471 = arith.constant 0 : i32
      %dma_start3A_472 = arith.constant 0 : i32
      %dma_start3A_473 = tpu.memref_slice %arg3[%add3A_470, %dma_start3A_471, %dma_start3A_472] : memref<5088x3x64xi32, #tpu.memory_space<hbm>> -> memref<1x3x64xi32, #tpu.memory_space<hbm>>
      %dma_start3A_474 = tpu.memref_squeeze %dma_start3A_473 : memref<1x3x64xi32, #tpu.memory_space<hbm>> -> memref<3x64xi32, #tpu.memory_space<hbm>>
      %dma_start3A_475 = arith.constant 0 : i32
      %dma_start3A_476 = arith.constant 0 : i32
      %dma_start3A_477 = tpu.memref_slice %arg3[%add3A_470, %dma_start3A_475, %dma_start3A_476] : memref<5088x3x64xi32, #tpu.memory_space<hbm>> -> memref<1x3x64xi32, #tpu.memory_space<hbm>>
      %dma_start3A_478 = tpu.memref_squeeze %dma_start3A_477 : memref<1x3x64xi32, #tpu.memory_space<hbm>> -> memref<3x64xi32, #tpu.memory_space<hbm>>
      tpu.enqueue_dma source(%dma_start3A_478 : memref<3x64xi32, #tpu.memory_space<hbm>>) target(%arg10 : memref<3x64xi32, #tpu.memory_space<vmem>>) target_semaphore(%arg17 : memref<!tpu.dma_semaphore, #tpu.memory_space<semaphore_mem>>)
    }
    %scan3A_74 = arith.constant 78 : i32
    %dma_wait3A_75 = arith.constant 0 : i32
    %dma_wait3A_76 = arith.constant 0 : i32
    %dma_wait3A_77 = tpu.memref_slice %arg9[%dma_wait3A_75, %dma_wait3A_76] : memref<3x64xi32, #tpu.memory_space<vmem>> -> memref<1x64xi32, #tpu.memory_space<vmem>>
    %dma_wait3A_78 = tpu.memref_squeeze %dma_wait3A_77 : memref<1x64xi32, #tpu.memory_space<vmem>> -> memref<64xi32, #tpu.memory_space<vmem>>
    %dma_wait3A_79 = arith.constant 0 : i32
    %dma_wait3A_80 = arith.constant 0 : i32
    %dma_wait3A_81 = tpu.memref_slice %arg2[%dma_wait3A_79, %dma_wait3A_80] : memref<10000x128xf32, #tpu.memory_space<hbm>> -> memref<10000x128xf32, #tpu.memory_space<hbm>>
    tpu.wait_indirect_dma semaphore(%arg18 : memref<!tpu.dma_semaphore, #tpu.memory_space<semaphore_mem>>) src(%dma_wait3A_81 : memref<10000x128xf32, #tpu.memory_space<hbm>>) dst(%arg11 : memref<64x128xf32, #tpu.memory_space<vmem>>)
    %dma_wait3A_82 = arith.constant 1 : i32
    %dma_wait3A_83 = arith.constant 0 : i32
    %dma_wait3A_84 = tpu.memref_slice %arg9[%dma_wait3A_82, %dma_wait3A_83] : memref<3x64xi32, #tpu.memory_space<vmem>> -> memref<1x64xi32, #tpu.memory_space<vmem>>
    %dma_wait3A_85 = tpu.memref_squeeze %dma_wait3A_84 : memref<1x64xi32, #tpu.memory_space<vmem>> -> memref<64xi32, #tpu.memory_space<vmem>>
    %dma_wait3A_86 = arith.constant 0 : i32
    %dma_wait3A_87 = arith.constant 0 : i32
    %dma_wait3A_88 = tpu.memref_slice %arg4[%dma_wait3A_86, %dma_wait3A_87] : memref<512x128xf32, #tpu.memory_space<hbm>> -> memref<512x128xf32, #tpu.memory_space<hbm>>
    tpu.wait_indirect_dma semaphore(%arg18 : memref<!tpu.dma_semaphore, #tpu.memory_space<semaphore_mem>>) src(%dma_wait3A_88 : memref<512x128xf32, #tpu.memory_space<hbm>>) dst(%arg13 : memref<64x128xf32, #tpu.memory_space<vmem>>)
    %dma_wait3A_89 = arith.constant 0 : i32
    %dma_wait3A_90 = arith.constant 0 : i32
    %dma_wait3A_91 = arith.constant 0 : i32
    %dma_wait3A_92 = tpu.memref_slice %arg3[%dma_wait3A_89, %dma_wait3A_90, %dma_wait3A_91] : memref<5088x3x64xi32, #tpu.memory_space<hbm>> -> memref<1x3x64xi32, #tpu.memory_space<hbm>>
    %dma_wait3A_93 = tpu.memref_squeeze %dma_wait3A_92 : memref<1x3x64xi32, #tpu.memory_space<hbm>> -> memref<3x64xi32, #tpu.memory_space<hbm>>
    %dma_wait3A_94 = arith.constant 0 : i32
    %dma_wait3A_95 = arith.constant 0 : i32
    %dma_wait3A_96 = tpu.memref_slice %arg3[%dma_wait3A_89, %dma_wait3A_94, %dma_wait3A_95] : memref<5088x3x64xi32, #tpu.memory_space<hbm>> -> memref<1x3x64xi32, #tpu.memory_space<hbm>>
    %dma_wait3A_97 = tpu.memref_squeeze %dma_wait3A_96 : memref<1x3x64xi32, #tpu.memory_space<hbm>> -> memref<3x64xi32, #tpu.memory_space<hbm>>
    tpu.wait_dma2 semaphore(%arg17 : memref<!tpu.dma_semaphore, #tpu.memory_space<semaphore_mem>>) src(%dma_wait3A_97 : memref<3x64xi32, #tpu.memory_space<hbm>>) dst(%arg10 : memref<3x64xi32, #tpu.memory_space<vmem>>)
    %dma_start3A_98 = arith.constant 2 : i32
    %dma_start3A_99 = arith.constant 0 : i32
    %dma_start3A_100 = tpu.memref_slice %arg9[%dma_start3A_98, %dma_start3A_99] : memref<3x64xi32, #tpu.memory_space<vmem>> -> memref<1x64xi32, #tpu.memory_space<vmem>>
    %dma_start3A_101 = tpu.memref_squeeze %dma_start3A_100 : memref<1x64xi32, #tpu.memory_space<vmem>> -> memref<64xi32, #tpu.memory_space<vmem>>
    %dma_start3A_102 = arith.constant 0 : i32
    %dma_start3A_103 = arith.constant 0 : i32
    %dma_start3A_104 = tpu.memref_slice %arg8[%dma_start3A_102, %dma_start3A_103] : memref<10240x128xf32, #tpu.memory_space<vmem_shared>> -> memref<10240x128xf32, #tpu.memory_space<vmem_shared>>
    tpu.enqueue_indirect_dma source(%arg11 : memref<64x128xf32, #tpu.memory_space<vmem>>) target(%dma_start3A_104 : memref<10240x128xf32, #tpu.memory_space<vmem_shared>>) offsets(%dma_start3A_101 : memref<64xi32, #tpu.memory_space<vmem>>) semaphore(%arg20 : memref<!tpu.dma_semaphore, #tpu.memory_space<semaphore_mem>>) {add = true}
    %dma_start3A_105 = arith.constant 2 : i32
    %dma_start3A_106 = arith.constant 0 : i32
    %dma_start3A_107 = tpu.memref_slice %arg9[%dma_start3A_105, %dma_start3A_106] : memref<3x64xi32, #tpu.memory_space<vmem>> -> memref<1x64xi32, #tpu.memory_space<vmem>>
    %dma_start3A_108 = tpu.memref_squeeze %dma_start3A_107 : memref<1x64xi32, #tpu.memory_space<vmem>> -> memref<64xi32, #tpu.memory_space<vmem>>
    %dma_start3A_109 = arith.constant 0 : i32
    %dma_start3A_110 = arith.constant 0 : i32
    %dma_start3A_111 = tpu.memref_slice %arg8[%dma_start3A_109, %dma_start3A_110] : memref<10240x128xf32, #tpu.memory_space<vmem_shared>> -> memref<10240x128xf32, #tpu.memory_space<vmem_shared>>
    tpu.enqueue_indirect_dma source(%arg13 : memref<64x128xf32, #tpu.memory_space<vmem>>) target(%dma_start3A_111 : memref<10240x128xf32, #tpu.memory_space<vmem_shared>>) offsets(%dma_start3A_108 : memref<64xi32, #tpu.memory_space<vmem>>) semaphore(%arg21 : memref<!tpu.dma_semaphore, #tpu.memory_space<semaphore_mem>>) {add = true}
    %get3A = arith.constant 2 : i32
    %get3A_112 = arith.index_cast %get3A : i32 to index
    %get3A_113 = arith.constant 0 : index
    %get3A_114 = tpu.vector_load %arg9[%get3A_112, %get3A_113] {strides = array<i32>} : memref<3x64xi32, #tpu.memory_space<vmem>>, vector<16xi32>,
    tpu.vector_store_idx %arg15[%get3A_114], %broadcast_in_dim3A_3 {add = true} : memref<10240xf32, #tpu.memory_space<vmem>>[vector<16xi32>], vector<16xf32>,
    %get3A_115 = arith.constant 2 : i32
    %get3A_116 = arith.index_cast %get3A_115 : i32 to index
    %get3A_117 = arith.constant 16 : index
    %get3A_118 = tpu.vector_load %arg9[%get3A_116, %get3A_117] {strides = array<i32>} : memref<3x64xi32, #tpu.memory_space<vmem>>, vector<16xi32>,
    tpu.vector_store_idx %arg15[%get3A_118], %broadcast_in_dim3A_3 {add = true} : memref<10240xf32, #tpu.memory_space<vmem>>[vector<16xi32>], vector<16xf32>,
    %get3A_119 = arith.constant 2 : i32
    %get3A_120 = arith.index_cast %get3A_119 : i32 to index
    %get3A_121 = arith.constant 32 : index
    %get3A_122 = tpu.vector_load %arg9[%get3A_120, %get3A_121] {strides = array<i32>} : memref<3x64xi32, #tpu.memory_space<vmem>>, vector<16xi32>,
    tpu.vector_store_idx %arg15[%get3A_122], %broadcast_in_dim3A_3 {add = true} : memref<10240xf32, #tpu.memory_space<vmem>>[vector<16xi32>], vector<16xf32>,
    %get3A_123 = arith.constant 2 : i32
    %get3A_124 = arith.index_cast %get3A_123 : i32 to index
    %get3A_125 = arith.constant 48 : index
    %get3A_126 = tpu.vector_load %arg9[%get3A_124, %get3A_125] {strides = array<i32>} : memref<3x64xi32, #tpu.memory_space<vmem>>, vector<16xi32>,
    tpu.vector_store_idx %arg15[%get3A_126], %broadcast_in_dim3A_3 {add = true} : memref<10240xf32, #tpu.memory_space<vmem>>[vector<16xi32>], vector<16xf32>,
    %dma_wait3A_127 = arith.constant 2 : i32
    %dma_wait3A_128 = arith.constant 0 : i32
    %dma_wait3A_129 = tpu.memref_slice %arg9[%dma_wait3A_127, %dma_wait3A_128] : memref<3x64xi32, #tpu.memory_space<vmem>> -> memref<1x64xi32, #tpu.memory_space<vmem>>
    %dma_wait3A_130 = tpu.memref_squeeze %dma_wait3A_129 : memref<1x64xi32, #tpu.memory_space<vmem>> -> memref<64xi32, #tpu.memory_space<vmem>>
    %dma_wait3A_131 = arith.constant 0 : i32
    %dma_wait3A_132 = arith.constant 0 : i32
    %dma_wait3A_133 = tpu.memref_slice %arg8[%dma_wait3A_131, %dma_wait3A_132] : memref<10240x128xf32, #tpu.memory_space<vmem_shared>> -> memref<10240x128xf32, #tpu.memory_space<vmem_shared>>
    tpu.wait_indirect_dma semaphore(%arg20 : memref<!tpu.dma_semaphore, #tpu.memory_space<semaphore_mem>>) src(%arg11 : memref<64x128xf32, #tpu.memory_space<vmem>>) dst(%dma_wait3A_133 : memref<10240x128xf32, #tpu.memory_space<vmem_shared>>)
    %dma_wait3A_134 = arith.constant 2 : i32
    %dma_wait3A_135 = arith.constant 0 : i32
    %dma_wait3A_136 = tpu.memref_slice %arg9[%dma_wait3A_134, %dma_wait3A_135] : memref<3x64xi32, #tpu.memory_space<vmem>> -> memref<1x64xi32, #tpu.memory_space<vmem>>
    %dma_wait3A_137 = tpu.memref_squeeze %dma_wait3A_136 : memref<1x64xi32, #tpu.memory_space<vmem>> -> memref<64xi32, #tpu.memory_space<vmem>>
    %dma_wait3A_138 = arith.constant 0 : i32
    %dma_wait3A_139 = arith.constant 0 : i32
    %dma_wait3A_140 = tpu.memref_slice %arg8[%dma_wait3A_138, %dma_wait3A_139] : memref<10240x128xf32, #tpu.memory_space<vmem_shared>> -> memref<10240x128xf32, #tpu.memory_space<vmem_shared>>
    tpu.wait_indirect_dma semaphore(%arg21 : memref<!tpu.dma_semaphore, #tpu.memory_space<semaphore_mem>>) src(%arg13 : memref<64x128xf32, #tpu.memory_space<vmem>>) dst(%dma_wait3A_140 : memref<10240x128xf32, #tpu.memory_space<vmem_shared>>)
    %mul3A_141 = arith.constant 10240 : i32
    %mul3A_142 = arith.muli %add3A, %mul3A_141 : i32
    "tpu.region"() ({
      %run_scoped3A = tpu.sem_alloc : memref<!tpu.dma_semaphore, #tpu.memory_space<semaphore_mem>>
      %dma_start3A_284 = tpu.memref_slice %arg7[%mul3A_142] : memref<327680xf32, #tpu.memory_space<hbm>> -> memref<10240xf32, #tpu.memory_space<hbm>>
      %dma_start3A_285 = tpu.memref_slice %arg7[%mul3A_142] : memref<327680xf32, #tpu.memory_space<hbm>> -> memref<10240xf32, #tpu.memory_space<hbm>>
      tpu.enqueue_dma source(%arg15 : memref<10240xf32, #tpu.memory_space<vmem>>) target(%dma_start3A_285 : memref<10240xf32, #tpu.memory_space<hbm>>) target_semaphore(%run_scoped3A : memref<!tpu.dma_semaphore, #tpu.memory_space<semaphore_mem>>)
      %dma_wait3A_286 = tpu.memref_slice %arg7[%mul3A_142] : memref<327680xf32, #tpu.memory_space<hbm>> -> memref<10240xf32, #tpu.memory_space<hbm>>
      %dma_wait3A_287 = tpu.memref_slice %arg7[%mul3A_142] : memref<327680xf32, #tpu.memory_space<hbm>> -> memref<10240xf32, #tpu.memory_space<hbm>>
      tpu.wait_dma2 semaphore(%run_scoped3A : memref<!tpu.dma_semaphore, #tpu.memory_space<semaphore_mem>>) src(%arg15 : memref<10240xf32, #tpu.memory_space<vmem>>) dst(%dma_wait3A_287 : memref<10240xf32, #tpu.memory_space<hbm>>)
      tpu.yield
    }) : () -> ()
    %barrier3A_143 = arith.constant 0 : index
    tpu.barrier barrier_id(%barrier3A_143)
    %add3A_144 = arith.constant 0 : i32
    %add3A_145 = arith.addi %mul3A_2, %add3A_144 : i32
    "tpu.region"() ({
      %run_scoped3A = tpu.sem_alloc : memref<!tpu.dma_semaphore, #tpu.memory_space<semaphore_mem>>
      %dma_start3A_284 = arith.constant 0 : i32
      %dma_start3A_285 = tpu.memref_slice %arg8[%add3A_145, %dma_start3A_284] : memref<10240x128xf32, #tpu.memory_space<vmem_shared>> -> memref<64x128xf32, #tpu.memory_space<vmem_shared>>
      %dma_start3A_286 = arith.constant 0 : i32
      %dma_start3A_287 = tpu.memref_slice %arg8[%add3A_145, %dma_start3A_286] : memref<10240x128xf32, #tpu.memory_space<vmem_shared>> -> memref<64x128xf32, #tpu.memory_space<vmem_shared>>
      tpu.enqueue_dma source(%dma_start3A_287 : memref<64x128xf32, #tpu.memory_space<vmem_shared>>) target(%arg11 : memref<64x128xf32, #tpu.memory_space<vmem>>) target_semaphore(%run_scoped3A : memref<!tpu.dma_semaphore, #tpu.memory_space<semaphore_mem>>)
      %dma_wait3A_288 = arith.constant 0 : i32
      %dma_wait3A_289 = tpu.memref_slice %arg8[%add3A_145, %dma_wait3A_288] : memref<10240x128xf32, #tpu.memory_space<vmem_shared>> -> memref<64x128xf32, #tpu.memory_space<vmem_shared>>
      %dma_wait3A_290 = arith.constant 0 : i32
      %dma_wait3A_291 = tpu.memref_slice %arg8[%add3A_145, %dma_wait3A_290] : memref<10240x128xf32, #tpu.memory_space<vmem_shared>> -> memref<64x128xf32, #tpu.memory_space<vmem_shared>>
      tpu.wait_dma2 semaphore(%run_scoped3A : memref<!tpu.dma_semaphore, #tpu.memory_space<semaphore_mem>>) src(%dma_wait3A_291 : memref<64x128xf32, #tpu.memory_space<vmem_shared>>) dst(%arg11 : memref<64x128xf32, #tpu.memory_space<vmem>>)
      tpu.yield
    }) : () -> ()
    %dma_start3A_146 = arith.constant 0 : i32
    %dma_start3A_147 = tpu.memref_slice %arg6[%arg0, %add3A_145, %dma_start3A_146] : memref<2x10240x128xf32, #tpu.memory_space<hbm>> -> memref<1x64x128xf32, #tpu.memory_space<hbm>>
    %dma_start3A_148 = tpu.memref_squeeze %dma_start3A_147 : memref<1x64x128xf32, #tpu.memory_space<hbm>> -> memref<64x128xf32, #tpu.memory_space<hbm>>
    %dma_start3A_149 = arith.constant 0 : i32
    %dma_start3A_150 = tpu.memref_slice %arg6[%arg0, %add3A_145, %dma_start3A_149] : memref<2x10240x128xf32, #tpu.memory_space<hbm>> -> memref<1x64x128xf32, #tpu.memory_space<hbm>>
    %dma_start3A_151 = tpu.memref_squeeze %dma_start3A_150 : memref<1x64x128xf32, #tpu.memory_space<hbm>> -> memref<64x128xf32, #tpu.memory_space<hbm>>
    tpu.enqueue_dma source(%arg11 : memref<64x128xf32, #tpu.memory_space<vmem>>) target(%dma_start3A_151 : memref<64x128xf32, #tpu.memory_space<hbm>>) target_semaphore(%arg22 : memref<!tpu.dma_semaphore, #tpu.memory_space<semaphore_mem>>)
    %add3A_152 = arith.constant 64 : i32
    %add3A_153 = arith.addi %mul3A_2, %add3A_152 : i32
    "tpu.region"() ({
      %run_scoped3A = tpu.sem_alloc : memref<!tpu.dma_semaphore, #tpu.memory_space<semaphore_mem>>
      %dma_start3A_284 = arith.constant 0 : i32
      %dma_start3A_285 = tpu.memref_slice %arg8[%add3A_153, %dma_start3A_284] : memref<10240x128xf32, #tpu.memory_space<vmem_shared>> -> memref<64x128xf32, #tpu.memory_space<vmem_shared>>
      %dma_start3A_286 = arith.constant 0 : i32
      %dma_start3A_287 = tpu.memref_slice %arg8[%add3A_153, %dma_start3A_286] : memref<10240x128xf32, #tpu.memory_space<vmem_shared>> -> memref<64x128xf32, #tpu.memory_space<vmem_shared>>
      tpu.enqueue_dma source(%dma_start3A_287 : memref<64x128xf32, #tpu.memory_space<vmem_shared>>) target(%arg12 : memref<64x128xf32, #tpu.memory_space<vmem>>) target_semaphore(%run_scoped3A : memref<!tpu.dma_semaphore, #tpu.memory_space<semaphore_mem>>)
      %dma_wait3A_288 = arith.constant 0 : i32
      %dma_wait3A_289 = tpu.memref_slice %arg8[%add3A_153, %dma_wait3A_288] : memref<10240x128xf32, #tpu.memory_space<vmem_shared>> -> memref<64x128xf32, #tpu.memory_space<vmem_shared>>
      %dma_wait3A_290 = arith.constant 0 : i32
      %dma_wait3A_291 = tpu.memref_slice %arg8[%add3A_153, %dma_wait3A_290] : memref<10240x128xf32, #tpu.memory_space<vmem_shared>> -> memref<64x128xf32, #tpu.memory_space<vmem_shared>>
      tpu.wait_dma2 semaphore(%run_scoped3A : memref<!tpu.dma_semaphore, #tpu.memory_space<semaphore_mem>>) src(%dma_wait3A_291 : memref<64x128xf32, #tpu.memory_space<vmem_shared>>) dst(%arg12 : memref<64x128xf32, #tpu.memory_space<vmem>>)
      tpu.yield
    }) : () -> ()
    %dma_start3A_154 = arith.constant 0 : i32
    %dma_start3A_155 = tpu.memref_slice %arg6[%arg0, %add3A_153, %dma_start3A_154] : memref<2x10240x128xf32, #tpu.memory_space<hbm>> -> memref<1x64x128xf32, #tpu.memory_space<hbm>>
    %dma_start3A_156 = tpu.memref_squeeze %dma_start3A_155 : memref<1x64x128xf32, #tpu.memory_space<hbm>> -> memref<64x128xf32, #tpu.memory_space<hbm>>
    %dma_start3A_157 = arith.constant 0 : i32
    %dma_start3A_158 = tpu.memref_slice %arg6[%arg0, %add3A_153, %dma_start3A_157] : memref<2x10240x128xf32, #tpu.memory_space<hbm>> -> memref<1x64x128xf32, #tpu.memory_space<hbm>>
    %dma_start3A_159 = tpu.memref_squeeze %dma_start3A_158 : memref<1x64x128xf32, #tpu.memory_space<hbm>> -> memref<64x128xf32, #tpu.memory_space<hbm>>
    tpu.enqueue_dma source(%arg12 : memref<64x128xf32, #tpu.memory_space<vmem>>) target(%dma_start3A_159 : memref<64x128xf32, #tpu.memory_space<hbm>>) target_semaphore(%arg23 : memref<!tpu.dma_semaphore, #tpu.memory_space<semaphore_mem>>)
    %add3A_160 = arith.constant 128 : i32
    %add3A_161 = arith.addi %mul3A_2, %add3A_160 : i32
    %dma_wait3A_162 = arith.constant 0 : i32
    %dma_wait3A_163 = tpu.memref_slice %arg6[%arg0, %mul3A_2, %dma_wait3A_162] : memref<2x10240x128xf32, #tpu.memory_space<hbm>> -> memref<1x64x128xf32, #tpu.memory_space<hbm>>
    %dma_wait3A_164 = tpu.memref_squeeze %dma_wait3A_163 : memref<1x64x128xf32, #tpu.memory_space<hbm>> -> memref<64x128xf32, #tpu.memory_space<hbm>>
    %dma_wait3A_165 = arith.constant 0 : i32
    %dma_wait3A_166 = tpu.memref_slice %arg6[%arg0, %mul3A_2, %dma_wait3A_165] : memref<2x10240x128xf32, #tpu.memory_space<hbm>> -> memref<1x64x128xf32, #tpu.memory_space<hbm>>
    %dma_wait3A_167 = tpu.memref_squeeze %dma_wait3A_166 : memref<1x64x128xf32, #tpu.memory_space<hbm>> -> memref<64x128xf32, #tpu.memory_space<hbm>>
    tpu.wait_dma2 semaphore(%arg22 : memref<!tpu.dma_semaphore, #tpu.memory_space<semaphore_mem>>) src(%arg11 : memref<64x128xf32, #tpu.memory_space<vmem>>) dst(%dma_wait3A_167 : memref<64x128xf32, #tpu.memory_space<hbm>>)
    "tpu.region"() ({
      %run_scoped3A = tpu.sem_alloc : memref<!tpu.dma_semaphore, #tpu.memory_space<semaphore_mem>>
      %dma_start3A_284 = arith.constant 0 : i32
      %dma_start3A_285 = tpu.memref_slice %arg8[%add3A_161, %dma_start3A_284] : memref<10240x128xf32, #tpu.memory_space<vmem_shared>> -> memref<64x128xf32, #tpu.memory_space<vmem_shared>>
      %dma_start3A_286 = arith.constant 0 : i32
      %dma_start3A_287 = tpu.memref_slice %arg8[%add3A_161, %dma_start3A_286] : memref<10240x128xf32, #tpu.memory_space<vmem_shared>> -> memref<64x128xf32, #tpu.memory_space<vmem_shared>>
      tpu.enqueue_dma source(%dma_start3A_287 : memref<64x128xf32, #tpu.memory_space<vmem_shared>>) target(%arg11 : memref<64x128xf32, #tpu.memory_space<vmem>>) target_semaphore(%run_scoped3A : memref<!tpu.dma_semaphore, #tpu.memory_space<semaphore_mem>>)
      %dma_wait3A_288 = arith.constant 0 : i32
      %dma_wait3A_289 = tpu.memref_slice %arg8[%add3A_161, %dma_wait3A_288] : memref<10240x128xf32, #tpu.memory_space<vmem_shared>> -> memref<64x128xf32, #tpu.memory_space<vmem_shared>>
      %dma_wait3A_290 = arith.constant 0 : i32
      %dma_wait3A_291 = tpu.memref_slice %arg8[%add3A_161, %dma_wait3A_290] : memref<10240x128xf32, #tpu.memory_space<vmem_shared>> -> memref<64x128xf32, #tpu.memory_space<vmem_shared>>
      tpu.wait_dma2 semaphore(%run_scoped3A : memref<!tpu.dma_semaphore, #tpu.memory_space<semaphore_mem>>) src(%dma_wait3A_291 : memref<64x128xf32, #tpu.memory_space<vmem_shared>>) dst(%arg11 : memref<64x128xf32, #tpu.memory_space<vmem>>)
      tpu.yield
    }) : () -> ()
    %dma_start3A_168 = arith.constant 0 : i32
    %dma_start3A_169 = tpu.memref_slice %arg6[%arg0, %add3A_161, %dma_start3A_168] : memref<2x10240x128xf32, #tpu.memory_space<hbm>> -> memref<1x64x128xf32, #tpu.memory_space<hbm>>
    %dma_start3A_170 = tpu.memref_squeeze %dma_start3A_169 : memref<1x64x128xf32, #tpu.memory_space<hbm>> -> memref<64x128xf32, #tpu.memory_space<hbm>>
    %dma_start3A_171 = arith.constant 0 : i32
    %dma_start3A_172 = tpu.memref_slice %arg6[%arg0, %add3A_161, %dma_start3A_171] : memref<2x10240x128xf32, #tpu.memory_space<hbm>> -> memref<1x64x128xf32, #tpu.memory_space<hbm>>
    %dma_start3A_173 = tpu.memref_squeeze %dma_start3A_172 : memref<1x64x128xf32, #tpu.memory_space<hbm>> -> memref<64x128xf32, #tpu.memory_space<hbm>>
    tpu.enqueue_dma source(%arg11 : memref<64x128xf32, #tpu.memory_space<vmem>>) target(%dma_start3A_173 : memref<64x128xf32, #tpu.memory_space<hbm>>) target_semaphore(%arg22 : memref<!tpu.dma_semaphore, #tpu.memory_space<semaphore_mem>>)
    %add3A_174 = arith.constant 192 : i32
    %add3A_175 = arith.addi %mul3A_2, %add3A_174 : i32
    %dma_wait3A_176 = arith.constant 0 : i32
    %dma_wait3A_177 = tpu.memref_slice %arg6[%arg0, %mul3A_2, %dma_wait3A_176] : memref<2x10240x128xf32, #tpu.memory_space<hbm>> -> memref<1x64x128xf32, #tpu.memory_space<hbm>>
    %dma_wait3A_178 = tpu.memref_squeeze %dma_wait3A_177 : memref<1x64x128xf32, #tpu.memory_space<hbm>> -> memref<64x128xf32, #tpu.memory_space<hbm>>
    %dma_wait3A_179 = arith.constant 0 : i32
    %dma_wait3A_180 = tpu.memref_slice %arg6[%arg0, %mul3A_2, %dma_wait3A_179] : memref<2x10240x128xf32, #tpu.memory_space<hbm>> -> memref<1x64x128xf32, #tpu.memory_space<hbm>>
    %dma_wait3A_181 = tpu.memref_squeeze %dma_wait3A_180 : memref<1x64x128xf32, #tpu.memory_space<hbm>> -> memref<64x128xf32, #tpu.memory_space<hbm>>
    tpu.wait_dma2 semaphore(%arg23 : memref<!tpu.dma_semaphore, #tpu.memory_space<semaphore_mem>>) src(%arg12 : memref<64x128xf32, #tpu.memory_space<vmem>>) dst(%dma_wait3A_181 : memref<64x128xf32, #tpu.memory_space<hbm>>)
    "tpu.region"() ({
      %run_scoped3A = tpu.sem_alloc : memref<!tpu.dma_semaphore, #tpu.memory_space<semaphore_mem>>
      %dma_start3A_284 = arith.constant 0 : i32
      %dma_start3A_285 = tpu.memref_slice %arg8[%add3A_175, %dma_start3A_284] : memref<10240x128xf32, #tpu.memory_space<vmem_shared>> -> memref<64x128xf32, #tpu.memory_space<vmem_shared>>
      %dma_start3A_286 = arith.constant 0 : i32
      %dma_start3A_287 = tpu.memref_slice %arg8[%add3A_175, %dma_start3A_286] : memref<10240x128xf32, #tpu.memory_space<vmem_shared>> -> memref<64x128xf32, #tpu.memory_space<vmem_shared>>
      tpu.enqueue_dma source(%dma_start3A_287 : memref<64x128xf32, #tpu.memory_space<vmem_shared>>) target(%arg12 : memref<64x128xf32, #tpu.memory_space<vmem>>) target_semaphore(%run_scoped3A : memref<!tpu.dma_semaphore, #tpu.memory_space<semaphore_mem>>)
      %dma_wait3A_288 = arith.constant 0 : i32
      %dma_wait3A_289 = tpu.memref_slice %arg8[%add3A_175, %dma_wait3A_288] : memref<10240x128xf32, #tpu.memory_space<vmem_shared>> -> memref<64x128xf32, #tpu.memory_space<vmem_shared>>
      %dma_wait3A_290 = arith.constant 0 : i32
      %dma_wait3A_291 = tpu.memref_slice %arg8[%add3A_175, %dma_wait3A_290] : memref<10240x128xf32, #tpu.memory_space<vmem_shared>> -> memref<64x128xf32, #tpu.memory_space<vmem_shared>>
      tpu.wait_dma2 semaphore(%run_scoped3A : memref<!tpu.dma_semaphore, #tpu.memory_space<semaphore_mem>>) src(%dma_wait3A_291 : memref<64x128xf32, #tpu.memory_space<vmem_shared>>) dst(%arg12 : memref<64x128xf32, #tpu.memory_space<vmem>>)
      tpu.yield
    }) : () -> ()
    %dma_start3A_182 = arith.constant 0 : i32
    %dma_start3A_183 = tpu.memref_slice %arg6[%arg0, %add3A_175, %dma_start3A_182] : memref<2x10240x128xf32, #tpu.memory_space<hbm>> -> memref<1x64x128xf32, #tpu.memory_space<hbm>>
    %dma_start3A_184 = tpu.memref_squeeze %dma_start3A_183 : memref<1x64x128xf32, #tpu.memory_space<hbm>> -> memref<64x128xf32, #tpu.memory_space<hbm>>
    %dma_start3A_185 = arith.constant 0 : i32
    %dma_start3A_186 = tpu.memref_slice %arg6[%arg0, %add3A_175, %dma_start3A_185] : memref<2x10240x128xf32, #tpu.memory_space<hbm>> -> memref<1x64x128xf32, #tpu.memory_space<hbm>>
    %dma_start3A_187 = tpu.memref_squeeze %dma_start3A_186 : memref<1x64x128xf32, #tpu.memory_space<hbm>> -> memref<64x128xf32, #tpu.memory_space<hbm>>
    tpu.enqueue_dma source(%arg12 : memref<64x128xf32, #tpu.memory_space<vmem>>) target(%dma_start3A_187 : memref<64x128xf32, #tpu.memory_space<hbm>>) target_semaphore(%arg23 : memref<!tpu.dma_semaphore, #tpu.memory_space<semaphore_mem>>)
    %add3A_188 = arith.constant 256 : i32
    %add3A_189 = arith.addi %mul3A_2, %add3A_188 : i32
    %dma_wait3A_190 = arith.constant 0 : i32
    %dma_wait3A_191 = tpu.memref_slice %arg6[%arg0, %mul3A_2, %dma_wait3A_190] : memref<2x10240x128xf32, #tpu.memory_space<hbm>> -> memref<1x64x128xf32, #tpu.memory_space<hbm>>
    %dma_wait3A_192 = tpu.memref_squeeze %dma_wait3A_191 : memref<1x64x128xf32, #tpu.memory_space<hbm>> -> memref<64x128xf32, #tpu.memory_space<hbm>>
    %dma_wait3A_193 = arith.constant 0 : i32
    %dma_wait3A_194 = tpu.memref_slice %arg6[%arg0, %mul3A_2, %dma_wait3A_193] : memref<2x10240x128xf32, #tpu.memory_space<hbm>> -> memref<1x64x128xf32, #tpu.memory_space<hbm>>
    %dma_wait3A_195 = tpu.memref_squeeze %dma_wait3A_194 : memref<1x64x128xf32, #tpu.memory_space<hbm>> -> memref<64x128xf32, #tpu.memory_space<hbm>>
    tpu.wait_dma2 semaphore(%arg22 : memref<!tpu.dma_semaphore, #tpu.memory_space<semaphore_mem>>) src(%arg11 : memref<64x128xf32, #tpu.memory_space<vmem>>) dst(%dma_wait3A_195 : memref<64x128xf32, #tpu.memory_space<hbm>>)
    "tpu.region"() ({
      %run_scoped3A = tpu.sem_alloc : memref<!tpu.dma_semaphore, #tpu.memory_space<semaphore_mem>>
      %dma_start3A_284 = arith.constant 0 : i32
      %dma_start3A_285 = tpu.memref_slice %arg8[%add3A_189, %dma_start3A_284] : memref<10240x128xf32, #tpu.memory_space<vmem_shared>> -> memref<64x128xf32, #tpu.memory_space<vmem_shared>>
      %dma_start3A_286 = arith.constant 0 : i32
      %dma_start3A_287 = tpu.memref_slice %arg8[%add3A_189, %dma_start3A_286] : memref<10240x128xf32, #tpu.memory_space<vmem_shared>> -> memref<64x128xf32, #tpu.memory_space<vmem_shared>>
      tpu.enqueue_dma source(%dma_start3A_287 : memref<64x128xf32, #tpu.memory_space<vmem_shared>>) target(%arg11 : memref<64x128xf32, #tpu.memory_space<vmem>>) target_semaphore(%run_scoped3A : memref<!tpu.dma_semaphore, #tpu.memory_space<semaphore_mem>>)
      %dma_wait3A_288 = arith.constant 0 : i32
      %dma_wait3A_289 = tpu.memref_slice %arg8[%add3A_189, %dma_wait3A_288] : memref<10240x128xf32, #tpu.memory_space<vmem_shared>> -> memref<64x128xf32, #tpu.memory_space<vmem_shared>>
      %dma_wait3A_290 = arith.constant 0 : i32
      %dma_wait3A_291 = tpu.memref_slice %arg8[%add3A_189, %dma_wait3A_290] : memref<10240x128xf32, #tpu.memory_space<vmem_shared>> -> memref<64x128xf32, #tpu.memory_space<vmem_shared>>
      tpu.wait_dma2 semaphore(%run_scoped3A : memref<!tpu.dma_semaphore, #tpu.memory_space<semaphore_mem>>) src(%dma_wait3A_291 : memref<64x128xf32, #tpu.memory_space<vmem_shared>>) dst(%arg11 : memref<64x128xf32, #tpu.memory_space<vmem>>)
      tpu.yield
    }) : () -> ()
    %dma_start3A_196 = arith.constant 0 : i32
    %dma_start3A_197 = tpu.memref_slice %arg6[%arg0, %add3A_189, %dma_start3A_196] : memref<2x10240x128xf32, #tpu.memory_space<hbm>> -> memref<1x64x128xf32, #tpu.memory_space<hbm>>
    %dma_start3A_198 = tpu.memref_squeeze %dma_start3A_197 : memref<1x64x128xf32, #tpu.memory_space<hbm>> -> memref<64x128xf32, #tpu.memory_space<hbm>>
    %dma_start3A_199 = arith.constant 0 : i32
    %dma_start3A_200 = tpu.memref_slice %arg6[%arg0, %add3A_189, %dma_start3A_199] : memref<2x10240x128xf32, #tpu.memory_space<hbm>> -> memref<1x64x128xf32, #tpu.memory_space<hbm>>
    %dma_start3A_201 = tpu.memref_squeeze %dma_start3A_200 : memref<1x64x128xf32, #tpu.memory_space<hbm>> -> memref<64x128xf32, #tpu.memory_space<hbm>>
    tpu.enqueue_dma source(%arg11 : memref<64x128xf32, #tpu.memory_space<vmem>>) target(%dma_start3A_201 : memref<64x128xf32, #tpu.memory_space<hbm>>) target_semaphore(%arg22 : memref<!tpu.dma_semaphore, #tpu.memory_space<semaphore_mem>>)
    %add3A_202 = arith.constant 320 : i32
    %add3A_203 = arith.addi %mul3A_2, %add3A_202 : i32
    %dma_wait3A_204 = arith.constant 0 : i32
    %dma_wait3A_205 = tpu.memref_slice %arg6[%arg0, %mul3A_2, %dma_wait3A_204] : memref<2x10240x128xf32, #tpu.memory_space<hbm>> -> memref<1x64x128xf32, #tpu.memory_space<hbm>>
    %dma_wait3A_206 = tpu.memref_squeeze %dma_wait3A_205 : memref<1x64x128xf32, #tpu.memory_space<hbm>> -> memref<64x128xf32, #tpu.memory_space<hbm>>
    %dma_wait3A_207 = arith.constant 0 : i32
    %dma_wait3A_208 = tpu.memref_slice %arg6[%arg0, %mul3A_2, %dma_wait3A_207] : memref<2x10240x128xf32, #tpu.memory_space<hbm>> -> memref<1x64x128xf32, #tpu.memory_space<hbm>>
    %dma_wait3A_209 = tpu.memref_squeeze %dma_wait3A_208 : memref<1x64x128xf32, #tpu.memory_space<hbm>> -> memref<64x128xf32, #tpu.memory_space<hbm>>
    tpu.wait_dma2 semaphore(%arg23 : memref<!tpu.dma_semaphore, #tpu.memory_space<semaphore_mem>>) src(%arg12 : memref<64x128xf32, #tpu.memory_space<vmem>>) dst(%dma_wait3A_209 : memref<64x128xf32, #tpu.memory_space<hbm>>)
    "tpu.region"() ({
      %run_scoped3A = tpu.sem_alloc : memref<!tpu.dma_semaphore, #tpu.memory_space<semaphore_mem>>
      %dma_start3A_284 = arith.constant 0 : i32
      %dma_start3A_285 = tpu.memref_slice %arg8[%add3A_203, %dma_start3A_284] : memref<10240x128xf32, #tpu.memory_space<vmem_shared>> -> memref<64x128xf32, #tpu.memory_space<vmem_shared>>
      %dma_start3A_286 = arith.constant 0 : i32
      %dma_start3A_287 = tpu.memref_slice %arg8[%add3A_203, %dma_start3A_286] : memref<10240x128xf32, #tpu.memory_space<vmem_shared>> -> memref<64x128xf32, #tpu.memory_space<vmem_shared>>
      tpu.enqueue_dma source(%dma_start3A_287 : memref<64x128xf32, #tpu.memory_space<vmem_shared>>) target(%arg12 : memref<64x128xf32, #tpu.memory_space<vmem>>) target_semaphore(%run_scoped3A : memref<!tpu.dma_semaphore, #tpu.memory_space<semaphore_mem>>)
      %dma_wait3A_288 = arith.constant 0 : i32
      %dma_wait3A_289 = tpu.memref_slice %arg8[%add3A_203, %dma_wait3A_288] : memref<10240x128xf32, #tpu.memory_space<vmem_shared>> -> memref<64x128xf32, #tpu.memory_space<vmem_shared>>
      %dma_wait3A_290 = arith.constant 0 : i32
      %dma_wait3A_291 = tpu.memref_slice %arg8[%add3A_203, %dma_wait3A_290] : memref<10240x128xf32, #tpu.memory_space<vmem_shared>> -> memref<64x128xf32, #tpu.memory_space<vmem_shared>>
      tpu.wait_dma2 semaphore(%run_scoped3A : memref<!tpu.dma_semaphore, #tpu.memory_space<semaphore_mem>>) src(%dma_wait3A_291 : memref<64x128xf32, #tpu.memory_space<vmem_shared>>) dst(%arg12 : memref<64x128xf32, #tpu.memory_space<vmem>>)
      tpu.yield
    }) : () -> ()
    %dma_start3A_210 = arith.constant 0 : i32
    %dma_start3A_211 = tpu.memref_slice %arg6[%arg0, %add3A_203, %dma_start3A_210] : memref<2x10240x128xf32, #tpu.memory_space<hbm>> -> memref<1x64x128xf32, #tpu.memory_space<hbm>>
    %dma_start3A_212 = tpu.memref_squeeze %dma_start3A_211 : memref<1x64x128xf32, #tpu.memory_space<hbm>> -> memref<64x128xf32, #tpu.memory_space<hbm>>
    %dma_start3A_213 = arith.constant 0 : i32
    %dma_start3A_214 = tpu.memref_slice %arg6[%arg0, %add3A_203, %dma_start3A_213] : memref<2x10240x128xf32, #tpu.memory_space<hbm>> -> memref<1x64x128xf32, #tpu.memory_space<hbm>>
    %dma_start3A_215 = tpu.memref_squeeze %dma_start3A_214 : memref<1x64x128xf32, #tpu.memory_space<hbm>> -> memref<64x128xf32, #tpu.memory_space<hbm>>
    tpu.enqueue_dma source(%arg12 : memref<64x128xf32, #tpu.memory_space<vmem>>) target(%dma_start3A_215 : memref<64x128xf32, #tpu.memory_space<hbm>>) target_semaphore(%arg23 : memref<!tpu.dma_semaphore, #tpu.memory_space<semaphore_mem>>)
    %add3A_216 = arith.constant 384 : i32
    %add3A_217 = arith.addi %mul3A_2, %add3A_216 : i32
    %dma_wait3A_218 = arith.constant 0 : i32
    %dma_wait3A_219 = tpu.memref_slice %arg6[%arg0, %mul3A_2, %dma_wait3A_218] : memref<2x10240x128xf32, #tpu.memory_space<hbm>> -> memref<1x64x128xf32, #tpu.memory_space<hbm>>
    %dma_wait3A_220 = tpu.memref_squeeze %dma_wait3A_219 : memref<1x64x128xf32, #tpu.memory_space<hbm>> -> memref<64x128xf32, #tpu.memory_space<hbm>>
    %dma_wait3A_221 = arith.constant 0 : i32
    %dma_wait3A_222 = tpu.memref_slice %arg6[%arg0, %mul3A_2, %dma_wait3A_221] : memref<2x10240x128xf32, #tpu.memory_space<hbm>> -> memref<1x64x128xf32, #tpu.memory_space<hbm>>
    %dma_wait3A_223 = tpu.memref_squeeze %dma_wait3A_222 : memref<1x64x128xf32, #tpu.memory_space<hbm>> -> memref<64x128xf32, #tpu.memory_space<hbm>>
    tpu.wait_dma2 semaphore(%arg22 : memref<!tpu.dma_semaphore, #tpu.memory_space<semaphore_mem>>) src(%arg11 : memref<64x128xf32, #tpu.memory_space<vmem>>) dst(%dma_wait3A_223 : memref<64x128xf32, #tpu.memory_space<hbm>>)
    "tpu.region"() ({
      %run_scoped3A = tpu.sem_alloc : memref<!tpu.dma_semaphore, #tpu.memory_space<semaphore_mem>>
      %dma_start3A_284 = arith.constant 0 : i32
      %dma_start3A_285 = tpu.memref_slice %arg8[%add3A_217, %dma_start3A_284] : memref<10240x128xf32, #tpu.memory_space<vmem_shared>> -> memref<64x128xf32, #tpu.memory_space<vmem_shared>>
      %dma_start3A_286 = arith.constant 0 : i32
      %dma_start3A_287 = tpu.memref_slice %arg8[%add3A_217, %dma_start3A_286] : memref<10240x128xf32, #tpu.memory_space<vmem_shared>> -> memref<64x128xf32, #tpu.memory_space<vmem_shared>>
      tpu.enqueue_dma source(%dma_start3A_287 : memref<64x128xf32, #tpu.memory_space<vmem_shared>>) target(%arg11 : memref<64x128xf32, #tpu.memory_space<vmem>>) target_semaphore(%run_scoped3A : memref<!tpu.dma_semaphore, #tpu.memory_space<semaphore_mem>>)
      %dma_wait3A_288 = arith.constant 0 : i32
      %dma_wait3A_289 = tpu.memref_slice %arg8[%add3A_217, %dma_wait3A_288] : memref<10240x128xf32, #tpu.memory_space<vmem_shared>> -> memref<64x128xf32, #tpu.memory_space<vmem_shared>>
      %dma_wait3A_290 = arith.constant 0 : i32
      %dma_wait3A_291 = tpu.memref_slice %arg8[%add3A_217, %dma_wait3A_290] : memref<10240x128xf32, #tpu.memory_space<vmem_shared>> -> memref<64x128xf32, #tpu.memory_space<vmem_shared>>
      tpu.wait_dma2 semaphore(%run_scoped3A : memref<!tpu.dma_semaphore, #tpu.memory_space<semaphore_mem>>) src(%dma_wait3A_291 : memref<64x128xf32, #tpu.memory_space<vmem_shared>>) dst(%arg11 : memref<64x128xf32, #tpu.memory_space<vmem>>)
      tpu.yield
    }) : () -> ()
    %dma_start3A_224 = arith.constant 0 : i32
    %dma_start3A_225 = tpu.memref_slice %arg6[%arg0, %add3A_217, %dma_start3A_224] : memref<2x10240x128xf32, #tpu.memory_space<hbm>> -> memref<1x64x128xf32, #tpu.memory_space<hbm>>
    %dma_start3A_226 = tpu.memref_squeeze %dma_start3A_225 : memref<1x64x128xf32, #tpu.memory_space<hbm>> -> memref<64x128xf32, #tpu.memory_space<hbm>>
    %dma_start3A_227 = arith.constant 0 : i32
    %dma_start3A_228 = tpu.memref_slice %arg6[%arg0, %add3A_217, %dma_start3A_227] : memref<2x10240x128xf32, #tpu.memory_space<hbm>> -> memref<1x64x128xf32, #tpu.memory_space<hbm>>
    %dma_start3A_229 = tpu.memref_squeeze %dma_start3A_228 : memref<1x64x128xf32, #tpu.memory_space<hbm>> -> memref<64x128xf32, #tpu.memory_space<hbm>>
    tpu.enqueue_dma source(%arg11 : memref<64x128xf32, #tpu.memory_space<vmem>>) target(%dma_start3A_229 : memref<64x128xf32, #tpu.memory_space<hbm>>) target_semaphore(%arg22 : memref<!tpu.dma_semaphore, #tpu.memory_space<semaphore_mem>>)
    %add3A_230 = arith.constant 448 : i32
    %add3A_231 = arith.addi %mul3A_2, %add3A_230 : i32
    %dma_wait3A_232 = arith.constant 0 : i32
    %dma_wait3A_233 = tpu.memref_slice %arg6[%arg0, %mul3A_2, %dma_wait3A_232] : memref<2x10240x128xf32, #tpu.memory_space<hbm>> -> memref<1x64x128xf32, #tpu.memory_space<hbm>>
    %dma_wait3A_234 = tpu.memref_squeeze %dma_wait3A_233 : memref<1x64x128xf32, #tpu.memory_space<hbm>> -> memref<64x128xf32, #tpu.memory_space<hbm>>
    %dma_wait3A_235 = arith.constant 0 : i32
    %dma_wait3A_236 = tpu.memref_slice %arg6[%arg0, %mul3A_2, %dma_wait3A_235] : memref<2x10240x128xf32, #tpu.memory_space<hbm>> -> memref<1x64x128xf32, #tpu.memory_space<hbm>>
    %dma_wait3A_237 = tpu.memref_squeeze %dma_wait3A_236 : memref<1x64x128xf32, #tpu.memory_space<hbm>> -> memref<64x128xf32, #tpu.memory_space<hbm>>
    tpu.wait_dma2 semaphore(%arg23 : memref<!tpu.dma_semaphore, #tpu.memory_space<semaphore_mem>>) src(%arg12 : memref<64x128xf32, #tpu.memory_space<vmem>>) dst(%dma_wait3A_237 : memref<64x128xf32, #tpu.memory_space<hbm>>)
    "tpu.region"() ({
      %run_scoped3A = tpu.sem_alloc : memref<!tpu.dma_semaphore, #tpu.memory_space<semaphore_mem>>
      %dma_start3A_284 = arith.constant 0 : i32
      %dma_start3A_285 = tpu.memref_slice %arg8[%add3A_231, %dma_start3A_284] : memref<10240x128xf32, #tpu.memory_space<vmem_shared>> -> memref<64x128xf32, #tpu.memory_space<vmem_shared>>
      %dma_start3A_286 = arith.constant 0 : i32
      %dma_start3A_287 = tpu.memref_slice %arg8[%add3A_231, %dma_start3A_286] : memref<10240x128xf32, #tpu.memory_space<vmem_shared>> -> memref<64x128xf32, #tpu.memory_space<vmem_shared>>
      tpu.enqueue_dma source(%dma_start3A_287 : memref<64x128xf32, #tpu.memory_space<vmem_shared>>) target(%arg12 : memref<64x128xf32, #tpu.memory_space<vmem>>) target_semaphore(%run_scoped3A : memref<!tpu.dma_semaphore, #tpu.memory_space<semaphore_mem>>)
      %dma_wait3A_288 = arith.constant 0 : i32
      %dma_wait3A_289 = tpu.memref_slice %arg8[%add3A_231, %dma_wait3A_288] : memref<10240x128xf32, #tpu.memory_space<vmem_shared>> -> memref<64x128xf32, #tpu.memory_space<vmem_shared>>
      %dma_wait3A_290 = arith.constant 0 : i32
      %dma_wait3A_291 = tpu.memref_slice %arg8[%add3A_231, %dma_wait3A_290] : memref<10240x128xf32, #tpu.memory_space<vmem_shared>> -> memref<64x128xf32, #tpu.memory_space<vmem_shared>>
      tpu.wait_dma2 semaphore(%run_scoped3A : memref<!tpu.dma_semaphore, #tpu.memory_space<semaphore_mem>>) src(%dma_wait3A_291 : memref<64x128xf32, #tpu.memory_space<vmem_shared>>) dst(%arg12 : memref<64x128xf32, #tpu.memory_space<vmem>>)
      tpu.yield
    }) : () -> ()
    %dma_start3A_238 = arith.constant 0 : i32
    %dma_start3A_239 = tpu.memref_slice %arg6[%arg0, %add3A_231, %dma_start3A_238] : memref<2x10240x128xf32, #tpu.memory_space<hbm>> -> memref<1x64x128xf32, #tpu.memory_space<hbm>>
    %dma_start3A_240 = tpu.memref_squeeze %dma_start3A_239 : memref<1x64x128xf32, #tpu.memory_space<hbm>> -> memref<64x128xf32, #tpu.memory_space<hbm>>
    %dma_start3A_241 = arith.constant 0 : i32
    %dma_start3A_242 = tpu.memref_slice %arg6[%arg0, %add3A_231, %dma_start3A_241] : memref<2x10240x128xf32, #tpu.memory_space<hbm>> -> memref<1x64x128xf32, #tpu.memory_space<hbm>>
    %dma_start3A_243 = tpu.memref_squeeze %dma_start3A_242 : memref<1x64x128xf32, #tpu.memory_space<hbm>> -> memref<64x128xf32, #tpu.memory_space<hbm>>
    tpu.enqueue_dma source(%arg12 : memref<64x128xf32, #tpu.memory_space<vmem>>) target(%dma_start3A_243 : memref<64x128xf32, #tpu.memory_space<hbm>>) target_semaphore(%arg23 : memref<!tpu.dma_semaphore, #tpu.memory_space<semaphore_mem>>)
    %add3A_244 = arith.constant 512 : i32
    %add3A_245 = arith.addi %mul3A_2, %add3A_244 : i32
    %dma_wait3A_246 = arith.constant 0 : i32
    %dma_wait3A_247 = tpu.memref_slice %arg6[%arg0, %mul3A_2, %dma_wait3A_246] : memref<2x10240x128xf32, #tpu.memory_space<hbm>> -> memref<1x64x128xf32, #tpu.memory_space<hbm>>
    %dma_wait3A_248 = tpu.memref_squeeze %dma_wait3A_247 : memref<1x64x128xf32, #tpu.memory_space<hbm>> -> memref<64x128xf32, #tpu.memory_space<hbm>>
    %dma_wait3A_249 = arith.constant 0 : i32
    %dma_wait3A_250 = tpu.memref_slice %arg6[%arg0, %mul3A_2, %dma_wait3A_249] : memref<2x10240x128xf32, #tpu.memory_space<hbm>> -> memref<1x64x128xf32, #tpu.memory_space<hbm>>
    %dma_wait3A_251 = tpu.memref_squeeze %dma_wait3A_250 : memref<1x64x128xf32, #tpu.memory_space<hbm>> -> memref<64x128xf32, #tpu.memory_space<hbm>>
    tpu.wait_dma2 semaphore(%arg22 : memref<!tpu.dma_semaphore, #tpu.memory_space<semaphore_mem>>) src(%arg11 : memref<64x128xf32, #tpu.memory_space<vmem>>) dst(%dma_wait3A_251 : memref<64x128xf32, #tpu.memory_space<hbm>>)
    "tpu.region"() ({
      %run_scoped3A = tpu.sem_alloc : memref<!tpu.dma_semaphore, #tpu.memory_space<semaphore_mem>>
      %dma_start3A_284 = arith.constant 0 : i32
      %dma_start3A_285 = tpu.memref_slice %arg8[%add3A_245, %dma_start3A_284] : memref<10240x128xf32, #tpu.memory_space<vmem_shared>> -> memref<64x128xf32, #tpu.memory_space<vmem_shared>>
      %dma_start3A_286 = arith.constant 0 : i32
      %dma_start3A_287 = tpu.memref_slice %arg8[%add3A_245, %dma_start3A_286] : memref<10240x128xf32, #tpu.memory_space<vmem_shared>> -> memref<64x128xf32, #tpu.memory_space<vmem_shared>>
      tpu.enqueue_dma source(%dma_start3A_287 : memref<64x128xf32, #tpu.memory_space<vmem_shared>>) target(%arg11 : memref<64x128xf32, #tpu.memory_space<vmem>>) target_semaphore(%run_scoped3A : memref<!tpu.dma_semaphore, #tpu.memory_space<semaphore_mem>>)
      %dma_wait3A_288 = arith.constant 0 : i32
      %dma_wait3A_289 = tpu.memref_slice %arg8[%add3A_245, %dma_wait3A_288] : memref<10240x128xf32, #tpu.memory_space<vmem_shared>> -> memref<64x128xf32, #tpu.memory_space<vmem_shared>>
      %dma_wait3A_290 = arith.constant 0 : i32
      %dma_wait3A_291 = tpu.memref_slice %arg8[%add3A_245, %dma_wait3A_290] : memref<10240x128xf32, #tpu.memory_space<vmem_shared>> -> memref<64x128xf32, #tpu.memory_space<vmem_shared>>
      tpu.wait_dma2 semaphore(%run_scoped3A : memref<!tpu.dma_semaphore, #tpu.memory_space<semaphore_mem>>) src(%dma_wait3A_291 : memref<64x128xf32, #tpu.memory_space<vmem_shared>>) dst(%arg11 : memref<64x128xf32, #tpu.memory_space<vmem>>)
      tpu.yield
    }) : () -> ()
    %dma_start3A_252 = arith.constant 0 : i32
    %dma_start3A_253 = tpu.memref_slice %arg6[%arg0, %add3A_245, %dma_start3A_252] : memref<2x10240x128xf32, #tpu.memory_space<hbm>> -> memref<1x64x128xf32, #tpu.memory_space<hbm>>
    %dma_start3A_254 = tpu.memref_squeeze %dma_start3A_253 : memref<1x64x128xf32, #tpu.memory_space<hbm>> -> memref<64x128xf32, #tpu.memory_space<hbm>>
    %dma_start3A_255 = arith.constant 0 : i32
    %dma_start3A_256 = tpu.memref_slice %arg6[%arg0, %add3A_245, %dma_start3A_255] : memref<2x10240x128xf32, #tpu.memory_space<hbm>> -> memref<1x64x128xf32, #tpu.memory_space<hbm>>
    %dma_start3A_257 = tpu.memref_squeeze %dma_start3A_256 : memref<1x64x128xf32, #tpu.memory_space<hbm>> -> memref<64x128xf32, #tpu.memory_space<hbm>>
    tpu.enqueue_dma source(%arg11 : memref<64x128xf32, #tpu.memory_space<vmem>>) target(%dma_start3A_257 : memref<64x128xf32, #tpu.memory_space<hbm>>) target_semaphore(%arg22 : memref<!tpu.dma_semaphore, #tpu.memory_space<semaphore_mem>>)
    %add3A_258 = arith.constant 576 : i32
    %add3A_259 = arith.addi %mul3A_2, %add3A_258 : i32
    %dma_wait3A_260 = arith.constant 0 : i32
    %dma_wait3A_261 = tpu.memref_slice %arg6[%arg0, %mul3A_2, %dma_wait3A_260] : memref<2x10240x128xf32, #tpu.memory_space<hbm>> -> memref<1x64x128xf32, #tpu.memory_space<hbm>>
    %dma_wait3A_262 = tpu.memref_squeeze %dma_wait3A_261 : memref<1x64x128xf32, #tpu.memory_space<hbm>> -> memref<64x128xf32, #tpu.memory_space<hbm>>
    %dma_wait3A_263 = arith.constant 0 : i32
    %dma_wait3A_264 = tpu.memref_slice %arg6[%arg0, %mul3A_2, %dma_wait3A_263] : memref<2x10240x128xf32, #tpu.memory_space<hbm>> -> memref<1x64x128xf32, #tpu.memory_space<hbm>>
    %dma_wait3A_265 = tpu.memref_squeeze %dma_wait3A_264 : memref<1x64x128xf32, #tpu.memory_space<hbm>> -> memref<64x128xf32, #tpu.memory_space<hbm>>
    tpu.wait_dma2 semaphore(%arg23 : memref<!tpu.dma_semaphore, #tpu.memory_space<semaphore_mem>>) src(%arg12 : memref<64x128xf32, #tpu.memory_space<vmem>>) dst(%dma_wait3A_265 : memref<64x128xf32, #tpu.memory_space<hbm>>)
    "tpu.region"() ({
      %run_scoped3A = tpu.sem_alloc : memref<!tpu.dma_semaphore, #tpu.memory_space<semaphore_mem>>
      %dma_start3A_284 = arith.constant 0 : i32
      %dma_start3A_285 = tpu.memref_slice %arg8[%add3A_259, %dma_start3A_284] : memref<10240x128xf32, #tpu.memory_space<vmem_shared>> -> memref<64x128xf32, #tpu.memory_space<vmem_shared>>
      %dma_start3A_286 = arith.constant 0 : i32
      %dma_start3A_287 = tpu.memref_slice %arg8[%add3A_259, %dma_start3A_286] : memref<10240x128xf32, #tpu.memory_space<vmem_shared>> -> memref<64x128xf32, #tpu.memory_space<vmem_shared>>
      tpu.enqueue_dma source(%dma_start3A_287 : memref<64x128xf32, #tpu.memory_space<vmem_shared>>) target(%arg12 : memref<64x128xf32, #tpu.memory_space<vmem>>) target_semaphore(%run_scoped3A : memref<!tpu.dma_semaphore, #tpu.memory_space<semaphore_mem>>)
      %dma_wait3A_288 = arith.constant 0 : i32
      %dma_wait3A_289 = tpu.memref_slice %arg8[%add3A_259, %dma_wait3A_288] : memref<10240x128xf32, #tpu.memory_space<vmem_shared>> -> memref<64x128xf32, #tpu.memory_space<vmem_shared>>
      %dma_wait3A_290 = arith.constant 0 : i32
      %dma_wait3A_291 = tpu.memref_slice %arg8[%add3A_259, %dma_wait3A_290] : memref<10240x128xf32, #tpu.memory_space<vmem_shared>> -> memref<64x128xf32, #tpu.memory_space<vmem_shared>>
      tpu.wait_dma2 semaphore(%run_scoped3A : memref<!tpu.dma_semaphore, #tpu.memory_space<semaphore_mem>>) src(%dma_wait3A_291 : memref<64x128xf32, #tpu.memory_space<vmem_shared>>) dst(%arg12 : memref<64x128xf32, #tpu.memory_space<vmem>>)
      tpu.yield
    }) : () -> ()
    %dma_start3A_266 = arith.constant 0 : i32
    %dma_start3A_267 = tpu.memref_slice %arg6[%arg0, %add3A_259, %dma_start3A_266] : memref<2x10240x128xf32, #tpu.memory_space<hbm>> -> memref<1x64x128xf32, #tpu.memory_space<hbm>>
    %dma_start3A_268 = tpu.memref_squeeze %dma_start3A_267 : memref<1x64x128xf32, #tpu.memory_space<hbm>> -> memref<64x128xf32, #tpu.memory_space<hbm>>
    %dma_start3A_269 = arith.constant 0 : i32
    %dma_start3A_270 = tpu.memref_slice %arg6[%arg0, %add3A_259, %dma_start3A_269] : memref<2x10240x128xf32, #tpu.memory_space<hbm>> -> memref<1x64x128xf32, #tpu.memory_space<hbm>>
    %dma_start3A_271 = tpu.memref_squeeze %dma_start3A_270 : memref<1x64x128xf32, #tpu.memory_space<hbm>> -> memref<64x128xf32, #tpu.memory_space<hbm>>
    tpu.enqueue_dma source(%arg12 : memref<64x128xf32, #tpu.memory_space<vmem>>) target(%dma_start3A_271 : memref<64x128xf32, #tpu.memory_space<hbm>>) target_semaphore(%arg23 : memref<!tpu.dma_semaphore, #tpu.memory_space<semaphore_mem>>)
    %dma_wait3A_272 = arith.constant 0 : i32
    %dma_wait3A_273 = tpu.memref_slice %arg6[%arg0, %mul3A_2, %dma_wait3A_272] : memref<2x10240x128xf32, #tpu.memory_space<hbm>> -> memref<1x64x128xf32, #tpu.memory_space<hbm>>
    %dma_wait3A_274 = tpu.memref_squeeze %dma_wait3A_273 : memref<1x64x128xf32, #tpu.memory_space<hbm>> -> memref<64x128xf32, #tpu.memory_space<hbm>>
    %dma_wait3A_275 = arith.constant 0 : i32
    %dma_wait3A_276 = tpu.memref_slice %arg6[%arg0, %mul3A_2, %dma_wait3A_275] : memref<2x10240x128xf32, #tpu.memory_space<hbm>> -> memref<1x64x128xf32, #tpu.memory_space<hbm>>
    %dma_wait3A_277 = tpu.memref_squeeze %dma_wait3A_276 : memref<1x64x128xf32, #tpu.memory_space<hbm>> -> memref<64x128xf32, #tpu.memory_space<hbm>>
    tpu.wait_dma2 semaphore(%arg22 : memref<!tpu.dma_semaphore, #tpu.memory_space<semaphore_mem>>) src(%arg11 : memref<64x128xf32, #tpu.memory_space<vmem>>) dst(%dma_wait3A_277 : memref<64x128xf32, #tpu.memory_space<hbm>>)
    %dma_wait3A_278 = arith.constant 0 : i32
    %dma_wait3A_279 = tpu.memref_slice %arg6[%arg0, %mul3A_2, %dma_wait3A_278] : memref<2x10240x128xf32, #tpu.memory_space<hbm>> -> memref<1x64x128xf32, #tpu.memory_space<hbm>>
    %dma_wait3A_280 = tpu.memref_squeeze %dma_wait3A_279 : memref<1x64x128xf32, #tpu.memory_space<hbm>> -> memref<64x128xf32, #tpu.memory_space<hbm>>
    %dma_wait3A_281 = arith.constant 0 : i32
    %dma_wait3A_282 = tpu.memref_slice %arg6[%arg0, %mul3A_2, %dma_wait3A_281] : memref<2x10240x128xf32, #tpu.memory_space<hbm>> -> memref<1x64x128xf32, #tpu.memory_space<hbm>>
    %dma_wait3A_283 = tpu.memref_squeeze %dma_wait3A_282 : memref<1x64x128xf32, #tpu.memory_space<hbm>> -> memref<64x128xf32, #tpu.memory_space<hbm>>
    tpu.wait_dma2 semaphore(%arg23 : memref<!tpu.dma_semaphore, #tpu.memory_space<semaphore_mem>>) src(%arg12 : memref<64x128xf32, #tpu.memory_space<vmem>>) dst(%dma_wait3A_283 : memref<64x128xf32, #tpu.memory_space<hbm>>)
    return
  }
}

module attributes {stable_mosaic.version = 14 : i64} {
  func.func @_tc_combine_body(%arg0: i32, %arg1: memref<1000x128xf32, #tpu.memory_space<vmem>>, %arg2: memref<1000x128xf32, #tpu.memory_space<vmem>>, %arg3: memref<1000x32xf32, #tpu.memory_space<vmem>>, %arg4: memref<1000x128xf32, #tpu.memory_space<vmem>>, %arg5: memref<128x128xf32, #tpu.memory_space<vmem>>, %arg6: memref<128x128xf32, #tpu.memory_space<vmem>>, %arg7: memref<128x128xf32, #tpu.memory_space<vmem>>, %arg8: memref<1000x128xf32, #tpu.memory_space<vmem>>) attributes {dimension_semantics = [#tpu.dimension_semantics<arbitrary>], iteration_bounds = array<i64: 10>, scalar_prefetch = 0 : i64, scratch_operands = 0 : i64, tpu.core_type = #tpu.core_type<tc>, window_params = [{transform_indices = @transform_0, window_bounds = array<i64: 1000, 128>}, {transform_indices = @transform_1, window_bounds = array<i64: 1000, 128>}, {transform_indices = @transform_2, window_bounds = array<i64: 1000, 32>}, {transform_indices = @transform_3, window_bounds = array<i64: 1000, 128>}, {pipeline_mode = #tpu.pipeline_mode<synchronous>, transform_indices = @transform_4, window_bounds = array<i64: 128, 128>}, {pipeline_mode = #tpu.pipeline_mode<synchronous>, transform_indices = @transform_5, window_bounds = array<i64: 128, 128>}, {pipeline_mode = #tpu.pipeline_mode<synchronous>, transform_indices = @transform_6, window_bounds = array<i64: 128, 128>}, {transform_indices = @transform_7, window_bounds = array<i64: 1000, 128>}]} {
    %get3A = arith.constant 0 : index
    %get3A_0 = arith.constant 0 : index
    %get3A_1 = vector.load %arg1[%get3A, %get3A_0] : memref<1000x128xf32, #tpu.memory_space<vmem>>, vector<1000x128xf32>
    %get3A_2 = arith.constant 0 : index
    %get3A_3 = arith.constant 0 : index
    %get3A_4 = vector.load %arg2[%get3A_2, %get3A_3] : memref<1000x128xf32, #tpu.memory_space<vmem>>, vector<1000x128xf32>
    %add3A = arith.addf %get3A_1, %get3A_4 : vector<1000x128xf32>
    %get3A_5 = arith.constant 0 : index
    %get3A_6 = arith.constant 0 : index
    %get3A_7 = vector.load %arg3[%get3A_5, %get3A_6] : memref<1000x32xf32, #tpu.memory_space<vmem>>, vector<1000x32xf32>
    %reduce_sum3A = arith.constant dense<0.000000e+00> : vector<1000xf32>
    %reduce_sum3A_8 = vector.multi_reduction <add>, %get3A_7, %reduce_sum3A [1] : vector<1000x32xf32> to vector<1000xf32>
    %broadcast_in_dim3A = vector.shape_cast %reduce_sum3A_8 : vector<1000xf32> to vector<1000x1xf32>
    %get3A_9 = arith.constant 0 : index
    %get3A_10 = arith.constant 0 : index
    %get3A_11 = vector.load %arg5[%get3A_9, %get3A_10] : memref<128x128xf32, #tpu.memory_space<vmem>>, vector<128x128xf32>
    %dot_general3A = arith.constant dense<0.000000e+00> : vector<1000x128xf32>
    %dot_general3A_12 = tpu.matmul %add3A, %get3A_11, %dot_general3A {dimension_numbers = #tpu.dot_dimension_numbers<[1], [0], [0], [1], [0, 0, 1, 1], [], []>, precision = #tpu.contract_precision<fp32>, transpose_lhs_hint = false} : vector<1000x128xf32>, vector<128x128xf32>, vector<1000x128xf32> -> vector<1000x128xf32>
    %max3A = arith.constant 1.000000e+00 : f32
    %max3A_13 = vector.broadcast %max3A : f32 to vector<1000x1xf32>
    %max3A_14 = arith.maximumf %broadcast_in_dim3A, %max3A_13 : vector<1000x1xf32>
    %div3A = arith.constant 1.000000e+00 : f32
    %div3A_15 = vector.broadcast %div3A : f32 to vector<1000x1xf32>
    %div3A_16 = arith.divf %div3A_15, %max3A_14 : vector<1000x1xf32>
    %get3A_17 = arith.constant 0 : index
    %get3A_18 = arith.constant 0 : index
    %get3A_19 = vector.load %arg4[%get3A_17, %get3A_18] : memref<1000x128xf32, #tpu.memory_space<vmem>>, vector<1000x128xf32>
    %get3A_20 = arith.constant 0 : index
    %get3A_21 = arith.constant 0 : index
    %get3A_22 = vector.load %arg6[%get3A_20, %get3A_21] : memref<128x128xf32, #tpu.memory_space<vmem>>, vector<128x128xf32>
    %dot_general3A_23 = arith.constant dense<0.000000e+00> : vector<1000x128xf32>
    %dot_general3A_24 = tpu.matmul %get3A_19, %get3A_22, %dot_general3A_23 {dimension_numbers = #tpu.dot_dimension_numbers<[1], [0], [0], [1], [0, 0, 1, 1], [], []>, precision = #tpu.contract_precision<fp32>, transpose_lhs_hint = false} : vector<1000x128xf32>, vector<128x128xf32>, vector<1000x128xf32> -> vector<1000x128xf32>
    %get3A_25 = arith.constant 0 : index
    %get3A_26 = arith.constant 0 : index
    %get3A_27 = vector.load %arg4[%get3A_25, %get3A_26] : memref<1000x128xf32, #tpu.memory_space<vmem>>, vector<1000x128xf32>
    %get3A_28 = arith.constant 0 : index
    %get3A_29 = arith.constant 0 : index
    %get3A_30 = vector.load %arg7[%get3A_28, %get3A_29] : memref<128x128xf32, #tpu.memory_space<vmem>>, vector<128x128xf32>
    %dot_general3A_31 = arith.constant dense<0.000000e+00> : vector<1000x128xf32>
    %dot_general3A_32 = tpu.matmul %get3A_27, %get3A_30, %dot_general3A_31 {dimension_numbers = #tpu.dot_dimension_numbers<[1], [0], [0], [1], [0, 0, 1, 1], [], []>, precision = #tpu.contract_precision<fp32>, transpose_lhs_hint = false} : vector<1000x128xf32>, vector<128x128xf32>, vector<1000x128xf32> -> vector<1000x128xf32>
    %gt3A = arith.constant 0.000000e+00 : f32
    %gt3A_33 = vector.broadcast %gt3A : f32 to vector<1000x1xf32>
    %gt3A_34 = arith.cmpf ogt, %broadcast_in_dim3A, %gt3A_33 : vector<1000x1xf32>
    %broadcast_in_dim3A_35 = vector.shape_cast %gt3A_34 : vector<1000x1xi1> to vector<1000x1xi1>
    %broadcast_in_dim3A_36 = vector.broadcast %broadcast_in_dim3A_35 : vector<1000x1xi1> to vector<1000x128xi1>
    %select_n3A = arith.select %broadcast_in_dim3A_36, %dot_general3A_24, %dot_general3A_32 : vector<1000x128xi1>, vector<1000x128xf32>
    %mul3A = vector.broadcast %div3A_16 : vector<1000x1xf32> to vector<1000x128xf32>
    %mul3A_37 = arith.mulf %dot_general3A_12, %mul3A : vector<1000x128xf32>
    %add3A_38 = arith.addf %mul3A_37, %select_n3A : vector<1000x128xf32>
    %ge3A = arith.constant 0.000000e+00 : f32
    %ge3A_39 = vector.broadcast %ge3A : f32 to vector<1000x128xf32>
    %ge3A_40 = arith.cmpf oge, %add3A_38, %ge3A_39 : vector<1000x128xf32>
    %mul3A_41 = arith.constant 0.229166672 : f32
    %mul3A_42 = vector.broadcast %mul3A_41 : f32 to vector<1000x128xf32>
    %mul3A_43 = arith.mulf %add3A_38, %mul3A_42 : vector<1000x128xf32>
    %select_n3A_44 = arith.select %ge3A_40, %add3A_38, %mul3A_43 : vector<1000x128xi1>, vector<1000x128xf32>
    %swap3A = arith.constant 0 : index
    %swap3A_45 = arith.constant 0 : index
    %swap3A_46 = vector.load %arg8[%swap3A, %swap3A_45] : memref<1000x128xf32, #tpu.memory_space<vmem>>, vector<1000x128xf32>
    tpu.vector_store %arg8[%swap3A, %swap3A_45], %select_n3A_44 {strides = array<i32>} : memref<1000x128xf32, #tpu.memory_space<vmem>>, vector<1000x128xf32>,
    return
  }
  func.func @transform_0(%arg0: i32) -> (i32, i32) {
    %c0_i32 = arith.constant 0 : i32
    %c0_i32_0 = arith.constant 0 : i32
    return %arg0, %c0_i32 : i32, i32
  }
  func.func @transform_1(%arg0: i32) -> (i32, i32) {
    %c0_i32 = arith.constant 0 : i32
    %c0_i32_0 = arith.constant 0 : i32
    return %arg0, %c0_i32 : i32, i32
  }
  func.func @transform_2(%arg0: i32) -> (i32, i32) {
    %c0_i32 = arith.constant 0 : i32
    %c0_i32_0 = arith.constant 0 : i32
    return %arg0, %c0_i32 : i32, i32
  }
  func.func @transform_3(%arg0: i32) -> (i32, i32) {
    %c0_i32 = arith.constant 0 : i32
    %c0_i32_0 = arith.constant 0 : i32
    return %arg0, %c0_i32 : i32, i32
  }
  func.func @transform_4(%arg0: i32) -> (i32, i32) {
    %c0_i32 = arith.constant 0 : i32
    %c0_i32_0 = arith.constant 0 : i32
    %c0_i32_1 = arith.constant 0 : i32
    return %c0_i32, %c0_i32_0 : i32, i32
  }
  func.func @transform_5(%arg0: i32) -> (i32, i32) {
    %c0_i32 = arith.constant 0 : i32
    %c0_i32_0 = arith.constant 0 : i32
    %c0_i32_1 = arith.constant 0 : i32
    return %c0_i32, %c0_i32_0 : i32, i32
  }
  func.func @transform_6(%arg0: i32) -> (i32, i32) {
    %c0_i32 = arith.constant 0 : i32
    %c0_i32_0 = arith.constant 0 : i32
    %c0_i32_1 = arith.constant 0 : i32
    return %c0_i32, %c0_i32_0 : i32, i32
  }
  func.func @transform_7(%arg0: i32) -> (i32, i32) {
    %c0_i32 = arith.constant 0 : i32
    %c0_i32_0 = arith.constant 0 : i32
    return %arg0, %c0_i32 : i32, i32
  }
}

</mosaic_0001>

<sc_bundles>
// kernel: kernel.4.cloned.1.call-start
scs
__scs_entry_jumppad:
0x0: {  	(pc) =	sbr.rel $0x88, $3  }
0x1: {  	(tag) =	ssettag $0x0;
	lr =	simm.s32 $0x1  }
0x2: {  	[smem:$0x3F9A] =	sst lr;
	_ =	strace $0xD0000000  }
0x3: {  	_ = 	snop  }
0x4: {  	_ = 	snop  }
0x5: {  	_ = 	snop  }
0x6: {  	_ = 	snop  }
0x7: {  	_ = 	snop  }
__scs_overlays_trampoline_lowered:
0x8: {  	[smem:$0x3FA9] =	sst s0  }
0x9: {  	[smem:$0x3FAA] =	sst s1  }
0xa: {  	[smem:$0x3FAB] =	sst s2  }
0xb: {  	[smem:$0x3FAC] =	sst s3  }
0xc: {  	[smem:$0x3FAD] =	sst s4  }
0xd: {  	[smem:$0x3FAE] =	sst s5  }
0xe: {  	[smem:$0x3FAF] =	sst s6  }
0xf: {  	[smem:$0x3FB0] =	sst s7  }
0x10: {  	[smem:$0x3FB1] =	sst s8  }
0x11: {  	[smem:$0x3FB2] =	sst s9;
	s0 =	simm.s32 @!p0 $0x0  }
0x12: {  	s1 =	sld [smem:$0x3F98];
	s0 =	simm.s32 @p0 $0x1  }
0x13: {  	[smem:$0x3FB3] =	sst s0;
	s0 =	simm.s32 @!p1 $0x0  }
0x14: {  	s2 =	sld [smem:$0x3F97];
	s0 =	simm.s32 @p1 $0x1  }
0x15: {  	[smem:$0x3FB4] =	sst s0;
	s0 =	simm.s32 @!p2 $0x0  }
0x16: {  	s3 =	sld [smem:$0x3FDB];
	s0 =	simm.s32 @p2 $0x1  }
0x17: {  	s4 =	simm.s32 $0x1BF5;
	[smem:$0x3FB6] =	sst s0  }
0x18: {  	s0 =	sld [smem:$0x3F99];
	_ =	swait.ge [sflag:s4], $0x0  }
0x19: {  	s7 =	sld [smem:$0x3F9A]  }
0x1a: {  	s8 =	sadd.s32 $0xFFFFE003, lr  }
0x1b: {  	s9 =	sadd.s32 $0xFFFFFEF7, lr;
	s5 =	simm.s32 $0xFFFFFFFF;
	p2 =	slt.u32 s8, $0xFFFFF086  }
0x1c: {  	p1 =	slt.u32 s9, $0xF7A;
	s5 =	simm.s32 @!p2 $0x0  }
0x1d: {  	s5 =	simm.s32 @p1 $0x1;
	p0 =	seq.s32 s7, s2  }
0x1e: {  	s7 =	smul.u32 @!p0 $0xF7A, s2;
	p2 =	seq.s32 @!p0 s5, $0x0  }
0x1f: {  	s9 =	smul.u32 $0xF7A, s1;
	s8 =	simm.s32 @!p0 $0x1BF5;
	p2 =	por !p2, p0  }
0x20: {  	[sflag:s8] =	ssyncset.s32 @!p0 $0xFFFFF086;
	s6 =	sadd.s32 @!p0 s3, s7;
	s7 =	simm.s32 @!p0 $0x108  }
0x21: {  	s3 =	sadd.s32 s3, s9;
	s6 =	sadd.s32 @!p0 $0x88, s6;
	s7 =	simm.s32 @p2 $0x1082  }
0x22: {  	[simem:s7], [sflag:s8] =	dma.local @!p0 [hbm:s6], $0xF7A  }
0x23: {  	s9 =	sor.u32 $0xD0000000, s2;
	s6 =	simm.s32 $0x108;
	_ =	swait.ge @!p0 [sflag:s8], $0x0  }
0x24: {  	s3 =	sadd.s32 $0x88, s3;
	s6 =	simm.s32 @!p1 $0x1082;
	[sflag:s4] =	ssyncset.s32 $0xFFFFF086  }
0x25: {  	[simem:s6], [sflag:s4] =	dma.local [hbm:s3], $0xF7A  }
0x26: {  	[smem:$0x3F9A] =	sst s1;
	(tag) =	ssettag s2;
	_ =	strace s9  }
0x27: {  	s1 =	sld [smem:$0x3FAA]  }
0x28: {  	s2 =	sld [smem:$0x3FAB]  }
0x29: {  	s4 =	sld [smem:$0x3FAD]  }
0x2a: {  	p0 =	seq.s32 s5, $0x0;
	s5 =	sld [smem:$0x3FAE]  }
0x2b: {  	s6 =	sld [smem:$0x3FAF]  }
0x2c: {  	s7 =	sld [smem:$0x3FB0]  }
0x2d: {  	s3 =	simm.s32 $0x108;
	s8 =	sld [smem:$0x3FB1]  }
0x2e: {  	s3 =	simm.s32 @!p0 $0x1082;
	s9 =	sld [smem:$0x3FB2]  }
0x2f: {  	lr =	sadd.s32 s0, s3;
	s0 =	sld [smem:$0x3FA9]  }
0x30: {  	s3 =	sld [smem:$0x3FAC]  }
0x31: {  	[smem:$0x3FB5] =	sst s10  }
0x32: {  	s10 =	sld [smem:$0x3FB3];
	_ =	sdelay $0x3  }
0x33: {  	p0 =	seq.s32 s10, $0x1;
	s10 =	sld [smem:$0x3FB5];
	_ =	sdelay $0x3  }
0x34: {  	[smem:$0x3FB5] =	sst s10  }
0x35: {  	s10 =	sld [smem:$0x3FB4];
	_ =	sdelay $0x3  }
0x36: {  	p1 =	seq.s32 s10, $0x1;
	s10 =	sld [smem:$0x3FB5];
	_ =	sdelay $0x3  }
0x37: {  	[smem:$0x3FB5] =	sst s10  }
0x38: {  	s10 =	sld [smem:$0x3FB6]  }
0x39: {  	_ = 	snop;
	(pc) =	sbr.ind lr, $3  }
0x3a: {  	_ = 	snop  }
0x3b: {  	_ = 	snop  }
0x3c: {  	p2 =	seq.s32 s10, $0x1;
	s10 =	sld [smem:$0x3FB5]  }
0x3d: {  	_ =	shalt  }
0x3e: {  	_ =	shalt  }
0x3f: {  	_ =	shalt  }
0x40: {  	_ =	shalt  }
0x41: {  	_ =	shalt  }
0x42: {  	_ =	shalt  }
0x43: {  	_ =	shalt  }
0x44: {  	_ =	shalt  }
0x45: {  	_ =	shalt  }
0x46: {  	_ =	shalt  }
0x47: {  	_ =	shalt  }
0x48: {  	_ =	shalt  }
0x49: {  	_ =	shalt  }
0x4a: {  	_ =	shalt  }
0x4b: {  	_ =	shalt  }
0x4c: {  	_ =	shalt  }
0x4d: {  	_ =	shalt  }
0x4e: {  	_ =	shalt  }
0x4f: {  	_ =	shalt  }
0x50: {  	_ =	shalt  }
0x51: {  	_ =	shalt  }
0x52: {  	_ =	shalt  }
0x53: {  	_ =	shalt  }
0x54: {  	_ =	shalt  }
0x55: {  	_ =	shalt  }
0x56: {  	_ =	shalt  }
0x57: {  	_ =	shalt  }
0x58: {  	_ =	shalt  }
0x59: {  	_ =	shalt  }
0x5a: {  	_ =	shalt  }
0x5b: {  	_ =	shalt  }
0x5c: {  	_ =	shalt  }
0x5d: {  	_ =	shalt  }
0x5e: {  	_ =	shalt  }
0x5f: {  	_ =	shalt  }
0x60: {  	_ =	shalt  }
0x61: {  	_ =	shalt  }
0x62: {  	_ =	shalt  }
0x63: {  	_ =	shalt  }
0x64: {  	_ =	shalt  }
0x65: {  	_ =	shalt  }
0x66: {  	_ =	shalt  }
0x67: {  	_ =	shalt  }
0x68: {  	_ =	shalt  }
0x69: {  	_ =	shalt  }
0x6a: {  	_ =	shalt  }
0x6b: {  	_ =	shalt  }
0x6c: {  	_ =	shalt  }
0x6d: {  	_ =	shalt  }
0x6e: {  	_ =	shalt  }
0x6f: {  	_ =	shalt  }
0x70: {  	_ =	shalt  }
0x71: {  	_ =	shalt  }
0x72: {  	_ =	shalt  }
0x73: {  	_ =	shalt  }
0x74: {  	_ =	shalt  }
0x75: {  	_ =	shalt  }
0x76: {  	_ =	shalt  }
0x77: {  	_ =	shalt  }
0x78: {  	_ =	shalt  }
0x79: {  	_ =	shalt  }
0x7a: {  	_ =	shalt  }
0x7b: {  	_ =	shalt  }
0x7c: {  	_ =	shalt  }
0x7d: {  	_ =	shalt  }
0x7e: {  	_ =	shalt  }
0x7f: {  	_ =	shalt  }
0x80: {  	_ =	shalt  }
0x81: {  	_ =	shalt  }
0x82: {  	_ =	shalt  }
0x83: {  	_ =	shalt  }
0x84: {  	_ =	shalt  }
0x85: {  	_ =	shalt  }
0x86: {  	_ =	shalt  }
0x87: {  	_ =	shalt  }
.Lfunc_end0:
.L_simem_size_0:
called_computation_lowered:
.L_overlay_start_0:
0x88: {  	s2 =	sld [smem:$0x3FD9]  }
0x89: {  	s3 =	sld [smem:$0x3FFE];
	_ =	sdelay $0x1  }
0x8a: {  	s1 =	srdreg.scid  }
0x8b: {  	s0 =	sand.u32 $0x1, s1  }
0x8c: {  	s17 =	sshll.u32 s0, $0xA;
	s2 =	sadd.s32 s3, s2  }
0x8d: {  	s2 =	sadd.s32 s2, s17  }
0x8e: {  	[smem:$0x3FC1] =	sst s2  }
0x8f: {  	_ = 	snop  }
0x90: {  	s2 =	sld [smem:$0x3FC9]  }
0x91: {  	s18 =	sld [smem:$0x3FD0];
	(tm) =	ssettm $0x1  }
0x92: {  	s4 =	sld [smem:$0x3FFB];
	_ =	sdelay $0x3  }
0x93: {  	_ =	strace s4  }
0x94: {  	s4 =	sld [smem:$0x3FFC];
	_ =	sdelay $0x3  }
0x95: {  	_ =	strace s4  }
0x96: {  	s4 =	sld [smem:$0x3FFD];
	_ =	sdelay $0x3  }
0x97: {  	_ =	strace s4  }
0x98: {  	_ =	strace $0x8FFFFFFF  }
0x99: {  	s19 =	sld [smem:$0x3FDB];
	_ =	sdelay $0x1  }
0x9a: {  	s5 =	simm.s32 $_scs_section_size  }
0x9b: {  	s6 =	simm.s32 $_size__tile_overlayer_lowered;
	s7 =	simm.s32 $_tile_overlayer_lowered  }
0x9c: {  	s22 =	simm.s32 $0x1BFF;
	s21 =	sshll.u32 s7, $0x1;
	s4 =	sadd.s32 s5, s19  }
0x9d: {  	s8 =	simm.s32 $0x0;
	s20 =	sshll.u32 s6, $0x1;
	s6 =	sadd.s32 s21, s4  }
0x9e: {  	[timem:s8], [sflag:s22] =	dma.local [hbm:s6], s20  }
0x9f: {  	_ =	swait.ge [sflag:s22], s20  }
0xa0: {  	s5 =	ssub.s32 $0x0, s20;
	[sflag:s22] =	ssyncset.done $0x0  }
0xa1: {  	[sflag:s22] =	ssyncadd.s32 s5;
	_ =	sdelay $0x1  }
0xa2: {  	s23 =	simm.s32 $0x1B8B  }
0xa3: {  	_ =	swait.ge [sflag:s23], $0x1  }
0xa4: {  	[sflag:s23] =	ssyncset.done $0x0  }
0xa5: {  	s25 =	simm.s32 $0x1B8E;
	s24 =	sld [smem:$0x3FFE];
	[sflag:s23] =	ssyncadd.s32 $0xFFFFFFFF  }
0xa6: {  	s26 =	simm.s32 $execute0_lowered;
	[smem:$0x3FD2] =	sst s25  }
0xa7: {  	s6 =	sshll.u32 s26, $0x1;
	_ =	strace $0x80000046;
	[dreg:$0x1] =	wrdreg $0xFFFFFFFF  }
0xa8: {  	s28 =	simm.s32 $_size_execute0_lowered;
	s4 =	sadd.s32 s4, s6;
	[dreg:$0x0] =	wrdreg $0x0  }
0xa9: {  	s6 =	sshll.u32 s28, $0x1;
	[dreg:$0x2] =	wrdreg s4  }
0xaa: {  	[dreg:$0x3] =	wrdreg s6  }
0xab: {  	[dreg:$0x4] =	wrdreg $0xC0  }
0xac: {  	_ =	task [dreg:s8], $0x5FFFF  }
0xad: {  	[dreg:$0x1] =	wrdreg $0xFFFFFFFF  }
0xae: {  	[dreg:$0x0] =	wrdreg $0x60  }
0xaf: {  	[dreg:$0x2] =	wrdreg s2  }
0xb0: {  	[dreg:$0x3] =	wrdreg s24  }
0xb1: {  	[dreg:$0x4] =	wrdreg s18  }
0xb2: {  	[dreg:$0x5] =	wrdreg $0x0  }
0xb3: {  	[dreg:$0x6] =	wrdreg $0x9  }
0xb4: {  	_ =	task.clear_ibuf [dreg:s8], $0x7FFFF;
	_ =	strace $0x90000046  }
0xb5: {  	s29 =	simm.s32 $0x9;
	_ =	strace $0x80000048  }
0xb6: {  	_ =	swait.ge [sflag:s29], $0x1  }
0xb7: {  	[sflag:s29] =	ssyncadd.s32 $0xFFFFFFFF  }
0xb8: {  	_ =	strace $0x90000048  }
0xb9: {  	_ =	sfence  }
0xba: {  	s30 =	sld [smem:$0x0];
	_ =	sdelay $0x2  }
0xbb: {  	s31 =	sshll.u32 s1, $0xD;
	s1 =	sshrl.u32 s1, $0x2  }
0xbc: {  	s3 =	sand.u32 $0x4000, s31;
	s1 =	sadd.s32 s1, s30  }
0xbd: {  	s0 =	sor.u32 s3, s0;
	s1 =	sshll.u32 s1, $0x11  }
0xbe: {  	s0 =	sor.u32 s1, s0  }
0xbf: {  	s0 =	sadd.s32 $0x8F2B, s0  }
0xc0: {  	[sflag:s0] =	ssyncadd.remote.s32 $0x1  }
0xc1: {  	_ =	sfence.sel $0xFFFF  }
0xc2: {  	[dreg:$0x0] =	wrdreg $0xFFFFFFFF;
	(pc) =	sbr.abs _section_cstart, $3  }
0xc3: {  	[dreg:$0x1] =	wrdreg $0xFFFFFFFF  }
0xc4: {  	_ =	task.clear_ibuf [dreg:s8], $0x2FFFF;
	_ =	strace $0x9FFFFFFF  }
0xc5: {  	(tm) =	ssettm $0x7FFFFFFF  }
tec
execute0_lowered:
.L_overlay_start_1:
0x0: {  	(tag) =	ssettag $0x1  }
0x1: {  	s0 =	rddreg [dreg:$0x1]  }
0x2: {  	s3 =	rddreg [dreg:$0x2];
	s2 =	srdreg.scid  }
0x3: {  	s1 =	simm.s32 $0x0;
	s17 =	stileid.u32;
	s31 =	simm.s32 $0x1C400  }
0x4: {  	s28 =	simm.s32 $0x0;
	s4 =	sand.u32 $0x1, s2;
	[smem:$0x7FF] =	sst s1  }
0x5: {  	s5 =	smul.u32 $0x14000, s17;
	s6 =	sadd.s32 $0x53200, s0;
	s2 =	ssub.s32 $0x2, s4  }
0x6: {  	s8 =	sshll.u32 s4, $0x4;
	s14 =	smul.u32 $0x140000, s4;
	s7 =	sshrl.u32 s2, $0x1  }
0x7: {  	s16 =	sor.u32 s17, s8;
	s8 =	sor.u32 $0x2000, s5;
	s9 =	sadd.s32 $0x4000, s5  }
0x8: {  	s10 =	sadd.s32 $0x6000, s5;
	s11 =	sadd.s32 $0x8000, s5;
	s12 =	sadd.s32 $0xA000, s5  }
0x9: {  	s13 =	sadd.s32 $0xC000, s5;
	s19 =	sadd.s32 $0xE000, s5;
	s20 =	sadd.s32 $0x10000, s5  }
0xa: {  	s21 =	sadd.s32 $0x12000, s5;
	s2 =	ssub.s32 s2, s7;
	s15 =	smul.u32 $0x500, s16  }
0xb: {  	s7 =	sshll.u32 s16, $0x6;
	s5 =	sadd.s32 s5, s14;
	s22 =	sadd.s32 s14, s8  }
0xc: {  	s24 =	sadd.s32 s14, s9;
	s26 =	sadd.s32 s14, s10;
	s16 =	sadd.s32 s14, s11  }
0xd: {  	s18 =	sshrl.u32 s5, $0x3;
	s23 =	sshrl.u32 s22, $0x3;
	s25 =	sshrl.u32 s24, $0x3  }
0xe: {  	s22 =	sadd.s32 s14, s12;
	s24 =	sadd.s32 s14, s13;
	s3 =	sadd.s32 s3, s15  }
0xf: {  	s15 =	sshrl.u32 s26, $0x3;
	s26 =	sadd.s32 s14, s19;
	[dreg:$0x5] =	wrdreg s3  }
0x10: {  	s3 =	sadd.s32 s6, s18;
	s18 =	sshrl.u32 s16, $0x3;
	s5 =	sshrl.u32 s26, $0x3  }
0x11: {  	s26 =	sshll.u32 s17, $0x6;
	[dreg:$0x6] =	wrdreg s3;
	s3 =	sadd.s32 s6, s23  }
0x12: {  	s23 =	sshrl.u32 s22, $0x3;
	[dreg:$0x7] =	wrdreg s3;
	s3 =	sadd.s32 s6, s25  }
0x13: {  	s25 =	sshrl.u32 s24, $0x3;
	[dreg:$0x8] =	wrdreg s3;
	s3 =	sadd.s32 s6, s15  }
0x14: {  	s24 =	sshll.u32 s4, $0xA;
	s15 =	sadd.s32 s14, s20;
	[dreg:$0x9] =	wrdreg s3  }
0x15: {  	s3 =	sadd.s32 s6, s18;
	s16 =	sshrl.u32 s15, $0x3;
	s15 =	rddreg [dreg:$0x0]  }
0x16: {  	s4 =	simm.s32 $0x1;
	[dreg:$0xa] =	wrdreg s3;
	s3 =	sadd.s32 s6, s23  }
0x17: {  	s18 =	sadd.s32 s14, s21;
	[dreg:$0xb] =	wrdreg s3;
	s3 =	sadd.s32 s6, s25  }
0x18: {  	s22 =	sshrl.u32 s18, $0x3;
	[dreg:$0xc] =	wrdreg s3;
	s3 =	sadd.s32 s6, s5  }
0x19: {  	s23 =	sadd.s32 $0x1600, s0;
	s25 =	smul.u32 $0x50000, s17;
	[dreg:$0xd] =	wrdreg s3  }
0x1a: {  	s18 =	sadd.s32 $0x50E00, s0;
	s3 =	sadd.s32 s6, s16;
	s16 =	rddreg [dreg:$0x3]  }
0x1b: {  	s0 =	sadd.s32 $0x52E00, s0;
	s5 =	sshrl.u32 s25, $0x2;
	[dreg:$0xe] =	wrdreg s3  }
0x1c: {  	s3 =	sadd.s32 s6, s22;
	s6 =	sadd.s32 s23, s7;
	s7 =	sadd.s32 s5, s16  }
0x1d: {  	s8 =	sadd.s32 s8, s16;
	s14 =	sadd.s32 s9, s16;
	[dreg:$0xf] =	wrdreg s3  }
0x1e: {  	s25 =	sadd.s32 s10, s16;
	_ =	strace $0x80000047;
	[dreg:$0x11] =	wrdreg s0  }
0x1f: {  	s30 =	sadd.s32 s13, s16;
	s29 =	sadd.s32 s19, s16;
	[dreg:$0x17] =	wrdreg s7  }
0x20: {  	s20 =	sadd.s32 s20, s16;
	s22 =	smax.u32 s2, $0x1;
	[dreg:$0x12] =	wrdreg s8  }
0x21: {  	s2 =	simm.s32 $0x9;
	s5 =	simm.s32 $0x40;
	[dreg:$0x13] =	wrdreg s14  }
0x22: {  	s9 =	simm.s32 $0x3;
	s10 =	simm.s32 $0x2;
	[dreg:$0x19] =	wrdreg s20  }
0x23: {  	s19 =	simm.s32 $0x14100;
	s13 =	simm.s32 $0x5;
	[dreg:$0x1b] =	wrdreg s22  }
0x24: {  	s3 =	sadd.s32 s24, s23;
	s23 =	sadd.s32 s11, s16;
	[dreg:$0x10] =	wrdreg s6  }
0x25: {  	s24 =	sadd.s32 s12, s16;
	s12 =	sadd.s32 s21, s16;
	[dreg:$0x14] =	wrdreg s23  }
0x26: {  	s11 =	simm.s32 $0x16400;
	s21 =	simm.s32 $0x4;
	[dreg:$0x15] =	wrdreg s24  }
0x27: {  	s17 =	sadd.s32 s26, s3;
	s26 =	sadd.s32 $0x800, s6;
	[dreg:$0x16] =	wrdreg s30  }
0x28: {  	s0 =	simm.s32 $0x14400;
	s3 =	simm.s32 $0x14000;
	[dreg:$0x18] =	wrdreg s29  }
0x29: {  	s6 =	simm.s32 $0x14080;
	s7 =	simm.s32 $0x18400;
	[dreg:$0x1a] =	wrdreg s12  }
0x2a: {  	s8 =	simm.s32 $0x14200;
	s14 =	simm.s32 $0x1A400;
	[dreg:$0x1e] =	wrdreg s25  }
0x2b: {  	v0 =	vimm.f32 $0.0e+00;
	v1 =	vimm.f32 $1.000000000e+00;
	s20 =	simm.s32 $0x6;
	s22 =	simm.s32 $0x14300;
	[dreg:$0x1c] =	wrdreg s26  }
.LBB2_1:
0x2c: {  	[dreg:$0x1d] =	wrdreg s28  }
0x2d: {  	s26 =	rddreg [dreg:$0x11]  }
0x2e: {  	[tilespmem:s0], [sflag:$0x9] =	stream.linear.gather [hbm4b:s26+s1], $0x2000, $0x38;
	[tilespmem:$0x1EC00] =	vst v63  }
0x2f: {  	_ =	swait.ge [sflag:s2], $0x2000  }
0x30: {  	[sflag:s2] =	ssyncset.done $0x0  }
0x31: {  	s28 =	rddreg [dreg:$0x17];
	[sflag:s2] =	ssyncadd.s32 $0xFFFFE000  }
0x32: {  	[spmem:s28] =	stream.linear.scatter [tilespmem:s0], [sflag:$0x9], $0x2000, $0x38;
	[tilespmem:$0x1EC00] =	vst v63  }
0x33: {  	s26 =	rddreg [dreg:$0x13];
	_ =	swait.ge [sflag:s2], $0x2000  }
0x34: {  	[sflag:s2] =	ssyncset.done $0x0  }
0x35: {  	s28 =	rddreg [dreg:$0x12];
	[sflag:s2] =	ssyncadd.s32 $0xFFFFE000  }
0x36: {  	[spmem:s28] =	stream.linear.scatter [tilespmem:s0], [sflag:$0x9], $0x2000, $0x38;
	[tilespmem:$0x1EC00] =	vst v63  }
0x37: {  	_ =	swait.ge [sflag:s2], $0x2000  }
0x38: {  	[sflag:s2] =	ssyncset.done $0x0  }
0x39: {  	[sflag:s2] =	ssyncadd.s32 $0xFFFFE000  }
0x3a: {  	[spmem:s26] =	stream.linear.scatter [tilespmem:s0], [sflag:$0x9], $0x2000, $0x38;
	[tilespmem:$0x1EC00] =	vst v63  }
0x3b: {  	_ =	swait.ge [sflag:s2], $0x2000  }
0x3c: {  	[sflag:s2] =	ssyncset.done $0x0  }
0x3d: {  	[sflag:s2] =	ssyncadd.s32 $0xFFFFE000  }
0x3e: {  	[spmem:s25] =	stream.linear.scatter [tilespmem:s0], [sflag:$0x9], $0x2000, $0x38;
	[tilespmem:$0x1EC00] =	vst v63  }
0x3f: {  	_ =	swait.ge [sflag:s2], $0x2000  }
0x40: {  	[sflag:s2] =	ssyncset.done $0x0  }
0x41: {  	[sflag:s2] =	ssyncadd.s32 $0xFFFFE000  }
0x42: {  	[spmem:s23] =	stream.linear.scatter [tilespmem:s0], [sflag:$0x9], $0x2000, $0x38;
	[tilespmem:$0x1EC00] =	vst v63  }
0x43: {  	_ =	swait.ge [sflag:s2], $0x2000  }
0x44: {  	[sflag:s2] =	ssyncset.done $0x0  }
0x45: {  	[sflag:s2] =	ssyncadd.s32 $0xFFFFE000  }
0x46: {  	[spmem:s24] =	stream.linear.scatter [tilespmem:s0], [sflag:$0x9], $0x2000, $0x38;
	[tilespmem:$0x1EC00] =	vst v63  }
0x47: {  	_ =	swait.ge [sflag:s2], $0x2000  }
0x48: {  	[sflag:s2] =	ssyncset.done $0x0  }
0x49: {  	[sflag:s2] =	ssyncadd.s32 $0xFFFFE000  }
0x4a: {  	[spmem:s30] =	stream.linear.scatter [tilespmem:s0], [sflag:$0x9], $0x2000, $0x38;
	[tilespmem:$0x1EC00] =	vst v63  }
0x4b: {  	_ =	swait.ge [sflag:s2], $0x2000  }
0x4c: {  	[sflag:s2] =	ssyncset.done $0x0  }
0x4d: {  	[sflag:s2] =	ssyncadd.s32 $0xFFFFE000  }
0x4e: {  	[spmem:s29] =	stream.linear.scatter [tilespmem:s0], [sflag:$0x9], $0x2000, $0x38;
	[tilespmem:$0x1EC00] =	vst v63  }
0x4f: {  	_ =	swait.ge [sflag:s2], $0x2000  }
0x50: {  	[sflag:s2] =	ssyncset.done $0x0  }
0x51: {  	s30 =	rddreg [dreg:$0x19];
	[sflag:s2] =	ssyncadd.s32 $0xFFFFE000  }
0x52: {  	[spmem:s30] =	stream.linear.scatter [tilespmem:s0], [sflag:$0x9], $0x2000, $0x38;
	[tilespmem:$0x1EC00] =	vst v63  }
0x53: {  	_ =	swait.ge [sflag:s2], $0x2000  }
0x54: {  	[sflag:s2] =	ssyncset.done $0x0  }
0x55: {  	[sflag:s2] =	ssyncadd.s32 $0xFFFFE000  }
0x56: {  	[spmem:s12] =	stream.linear.scatter [tilespmem:s0], [sflag:$0x9], $0x2000, $0x38;
	[tilespmem:$0x1EC00] =	vst v63  }
0x57: {  	_ =	swait.ge [sflag:s2], $0x2000  }
0x58: {  	[sflag:s2] =	ssyncset.done $0x0  }
0x59: {  	s28 =	simm.s32 $0x0;
	s26 =	simm.s32 $0x40;
	[sflag:s2] =	ssyncadd.s32 $0xFFFFE000  }
.LBB2_2:
0x5a: {  	p0 =	sne.s32 s26, $0x9FC0;
	[tilespmem:s28+$0x1C400] =	vst v0;
	s28 =	smov.u32 s26;
	s26 =	sadd.s32 $0x40, s26  }
.Ltmp0:
0x5b: {  	(pc) =	sbr.rel @p0 .LBB2_2-.Ltmp0, $2  }
0x5c: {  	_ =	sdelay $0x2  }
0x5d: {  	s28 =	sshra.s32 s28, $0x2  }
0x5e: {  	[tilespmem:s28+$0x1C400] =	vst v0  }
0x5f: {  	[bflag:$0x0] =	sbarrier.arrive $0xFFFF  }
0x60: {  	s26 =	rddreg [dreg:$0x10]  }
0x61: {  	[tilespmem:s3], [sflag:$0x1] =	stream.linear.gather [hbm4b:s26+s1], $0x180, $0x38;
	[tilespmem:$0x1EC00] =	vst v63  }
0x62: {  	_ =	swait.ge [sflag:s4], $0x180  }
0x63: {  	[sflag:s4] =	ssyncset.done $0x0  }
0x64: {  	[sflag:s4] =	ssyncadd.s32 $0xFFFFFE80  }
0x65: {  	[tilespmem:s0], [sflag:$0x3] =	stream.indirect.gather [hbm4b:s15+s5], $0x80, s3, s5, $0xb8;
	[tilespmem:$0x1EC00] =	vst v63  }
0x66: {  	s23 =	smov.u32 s25  }
0x67: {  	[tilespmem:s7], [sflag:$0x3] =	stream.indirect.gather [hbm4b:s18+s5], $0x80, s6, s5, $0xb8;
	[tilespmem:$0x1EC00] =	vst v63  }
0x68: {  	s12 =	simm.s32 $0x14280;
	s26 =	simm.s32 $0xFFFB2000;
	s24 =	rddreg [dreg:$0x1c]  }
0x69: {  	[tilespmem:s8], [sflag:$0x2] =	stream.linear.gather [hbm4b:s24+s1], $0x180, $0x38;
	[tilespmem:$0x1EC00] =	vst v63  }
.LBB2_4:
0x6a: {  	_ =	swait.ge [sflag:s9], $0x2000  }
0x6b: {  	[sflag:s9] =	ssyncset.done $0x0  }
0x6c: {  	[sflag:s9] =	ssyncadd.s32 $0xFFFFE000  }
0x6d: {  	_ =	swait.ge [sflag:s9], $0x2000  }
0x6e: {  	[sflag:s9] =	ssyncset.done $0x0  }
0x6f: {  	[sflag:s9] =	ssyncadd.s32 $0xFFFFE000  }
0x70: {  	_ =	swait.ge [sflag:s10], $0x180  }
0x71: {  	[sflag:s10] =	ssyncset.done $0x0  }
0x72: {  	[sflag:s10] =	ssyncadd.s32 $0xFFFFFE80  }
0x73: {  	[tilespmem:s11], [sflag:$0x4] =	stream.indirect.gather [hbm4b:s15+s5], $0x80, s8, s5, $0xb8;
	[tilespmem:$0x1EC00] =	vst v63  }
0x74: {  	_ = 	snop  }
0x75: {  	[tilespmem:s14], [sflag:$0x4] =	stream.indirect.gather [hbm4b:s18+s5], $0x80, s12, s5, $0xb8;
	[tilespmem:$0x1EC00] =	vst v63  }
0x76: {  	_ = 	snop  }
0x77: {  	[spmem:s16] =	stream.indirect.scatter.add.f32 [tilespmem:s0], [sflag:$0x5], $0x80, s19, s5, $0xb8;
	[tilespmem:$0x1EC00] =	vst v63  }
0x78: {  	_ = 	snop  }
0x79: {  	[spmem:s16] =	stream.indirect.scatter.add.f32 [tilespmem:s7], [sflag:$0x6], $0x80, s19, s5, $0xb8;
	[tilespmem:$0x1EC00] =	vst v63  }
0x7a: {  	v2 =	vld [tilespmem:$0x14100];
	_ =	sdelay $0x7  }
0x7b: {  	[tilespmem:v2+s31+$0x0] =	vst.idx.add.f32.msk $0xffff, v1  }
0x7c: {  	v2 =	vld [tilespmem:$0x14110];
	_ =	sdelay $0x7  }
0x7d: {  	[tilespmem:v2+s31+$0x0] =	vst.idx.add.f32.msk $0xffff, v1  }
0x7e: {  	v2 =	vld [tilespmem:$0x14120];
	_ =	sdelay $0x7  }
0x7f: {  	[tilespmem:v2+s31+$0x0] =	vst.idx.add.f32.msk $0xffff, v1  }
0x80: {  	v2 =	vld [tilespmem:$0x14130];
	_ =	sdelay $0x7  }
0x81: {  	[tilespmem:v2+s31+$0x0] =	vst.idx.add.f32.msk $0xffff, v1  }
0x82: {  	_ =	swait.ge [sflag:s13], $0x2000  }
0x83: {  	[sflag:s13] =	ssyncset.done $0x0  }
0x84: {  	[sflag:s13] =	ssyncadd.s32 $0xFFFFE000  }
0x85: {  	_ =	swait.ge [sflag:s20], $0x2000  }
0x86: {  	s28 =	sadd.s32 s26, s17;
	[sflag:s20] =	ssyncset.done $0x0  }
0x87: {  	s29 =	sadd.s32 $0x4F000, s28;
	[sflag:s20] =	ssyncadd.s32 $0xFFFFE000  }
0x88: {  	[tilespmem:s3], [sflag:$0x1] =	stream.linear.gather [hbm4b:s29+s1], $0x180, $0x38;
	[tilespmem:$0x1EC00] =	vst v63  }
0x89: {  	_ =	swait.ge [sflag:s21], $0x2000  }
0x8a: {  	[sflag:s21] =	ssyncset.done $0x0  }
0x8b: {  	[sflag:s21] =	ssyncadd.s32 $0xFFFFE000  }
0x8c: {  	_ =	swait.ge [sflag:s21], $0x2000  }
0x8d: {  	[sflag:s21] =	ssyncset.done $0x0  }
0x8e: {  	[sflag:s21] =	ssyncadd.s32 $0xFFFFE000  }
0x8f: {  	_ =	swait.ge [sflag:s4], $0x180  }
0x90: {  	[sflag:s4] =	ssyncset.done $0x0  }
0x91: {  	[sflag:s4] =	ssyncadd.s32 $0xFFFFFE80  }
0x92: {  	[tilespmem:s0], [sflag:$0x3] =	stream.indirect.gather [hbm4b:s15+s5], $0x80, s3, s5, $0xb8;
	[tilespmem:$0x1EC00] =	vst v63  }
0x93: {  	_ = 	snop  }
0x94: {  	[tilespmem:s7], [sflag:$0x3] =	stream.indirect.gather [hbm4b:s18+s5], $0x80, s6, s5, $0xb8;
	[tilespmem:$0x1EC00] =	vst v63  }
0x95: {  	_ = 	snop  }
0x96: {  	[spmem:s16] =	stream.indirect.scatter.add.f32 [tilespmem:s11], [sflag:$0x5], $0x80, s22, s5, $0xb8;
	[tilespmem:$0x1EC00] =	vst v63  }
0x97: {  	_ = 	snop  }
0x98: {  	[spmem:s16] =	stream.indirect.scatter.add.f32 [tilespmem:s14], [sflag:$0x6], $0x80, s22, s5, $0xb8;
	[tilespmem:$0x1EC00] =	vst v63  }
0x99: {  	v2 =	vld [tilespmem:$0x14300];
	_ =	sdelay $0x7  }
0x9a: {  	[tilespmem:v2+s31+$0x0] =	vst.idx.add.f32.msk $0xffff, v1  }
0x9b: {  	v2 =	vld [tilespmem:$0x14310];
	_ =	sdelay $0x7  }
0x9c: {  	[tilespmem:v2+s31+$0x0] =	vst.idx.add.f32.msk $0xffff, v1  }
0x9d: {  	v2 =	vld [tilespmem:$0x14320];
	_ =	sdelay $0x7  }
0x9e: {  	[tilespmem:v2+s31+$0x0] =	vst.idx.add.f32.msk $0xffff, v1  }
0x9f: {  	v2 =	vld [tilespmem:$0x14330];
	_ =	sdelay $0x7  }
0xa0: {  	[tilespmem:v2+s31+$0x0] =	vst.idx.add.f32.msk $0xffff, v1  }
0xa1: {  	_ =	swait.ge [sflag:s13], $0x2000  }
0xa2: {  	p0 =	sne.s32 s26, $0xFFFFF000;
	[sflag:s13] =	ssyncset.done $0x0  }
.Ltmp1:
0xa3: {  	[sflag:s13] =	ssyncadd.s32 $0xFFFFE000;
	(pc) =	sbr.rel @p0 .LBB2_4-.Ltmp1, $4  }
0xa4: {  	_ =	swait.ge [sflag:s20], $0x2000  }
0xa5: {  	[sflag:s20] =	ssyncset.done $0x0  }
0xa6: {  	s26 =	sadd.s32 $0x1000, s26;
	s28 =	sadd.s32 $0x4F800, s28;
	[sflag:s20] =	ssyncadd.s32 $0xFFFFE000  }
0xa7: {  	[tilespmem:s8], [sflag:$0x2] =	stream.linear.gather [hbm4b:s28+s1], $0x180, $0x38;
	[tilespmem:$0x1EC00] =	vst v63  }
0xa8: {  	_ =	swait.ge [sflag:s9], $0x2000  }
0xa9: {  	[sflag:s9] =	ssyncset.done $0x0  }
0xaa: {  	[sflag:s9] =	ssyncadd.s32 $0xFFFFE000  }
0xab: {  	_ =	swait.ge [sflag:s9], $0x2000  }
0xac: {  	[sflag:s9] =	ssyncset.done $0x0  }
0xad: {  	[sflag:s9] =	ssyncadd.s32 $0xFFFFE000  }
0xae: {  	_ =	swait.ge [sflag:s10], $0x180  }
0xaf: {  	[sflag:s10] =	ssyncset.done $0x0  }
0xb0: {  	[sflag:s10] =	ssyncadd.s32 $0xFFFFFE80  }
0xb1: {  	[spmem:s16] =	stream.indirect.scatter.add.f32 [tilespmem:s0], [sflag:$0x5], $0x80, s19, s5, $0xb8;
	[tilespmem:$0x1EC00] =	vst v63  }
0xb2: {  	_ = 	snop  }
0xb3: {  	[spmem:s16] =	stream.indirect.scatter.add.f32 [tilespmem:s7], [sflag:$0x6], $0x80, s19, s5, $0xb8;
	[tilespmem:$0x1EC00] =	vst v63  }
0xb4: {  	v2 =	vld [tilespmem:$0x14100];
	_ =	sdelay $0x7  }
0xb5: {  	[tilespmem:v2+s31+$0x0] =	vst.idx.add.f32.msk $0xffff, v1  }
0xb6: {  	v2 =	vld [tilespmem:$0x14110];
	_ =	sdelay $0x7  }
0xb7: {  	[tilespmem:v2+s31+$0x0] =	vst.idx.add.f32.msk $0xffff, v1  }
0xb8: {  	v2 =	vld [tilespmem:$0x14120];
	_ =	sdelay $0x7  }
0xb9: {  	[tilespmem:v2+s31+$0x0] =	vst.idx.add.f32.msk $0xffff, v1  }
0xba: {  	v2 =	vld [tilespmem:$0x14130];
	_ =	sdelay $0x7  }
0xbb: {  	[tilespmem:v2+s31+$0x0] =	vst.idx.add.f32.msk $0xffff, v1  }
0xbc: {  	_ =	swait.ge [sflag:s13], $0x2000  }
0xbd: {  	[sflag:s13] =	ssyncset.done $0x0  }
0xbe: {  	[sflag:s13] =	ssyncadd.s32 $0xFFFFE000  }
0xbf: {  	_ =	swait.ge [sflag:s20], $0x2000  }
0xc0: {  	[sflag:s20] =	ssyncset.done $0x0  }
0xc1: {  	s26 =	rddreg [dreg:$0x5];
	[sflag:s20] =	ssyncadd.s32 $0xFFFFE000  }
0xc2: {  	[hbm4b:s26+s1] =	stream.linear.scatter [tilespmem:s31], [sflag:$0x9], $0x2800, $0x38;
	[tilespmem:$0x1EC00] =	vst v63  }
0xc3: {  	_ =	swait.ge [sflag:s2], $0x2800  }
0xc4: {  	[sflag:s2] =	ssyncset.done $0x0  }
0xc5: {  	[sflag:s2] =	ssyncadd.s32 $0xFFFFD800  }
0xc6: {  	[bflag:$0x0] =	sbarrier.arrive $0xFFFF  }
0xc7: {  	s24 =	rddreg [dreg:$0x17]  }
0xc8: {  	[tilespmem:s0], [sflag:$0x9] =	stream.linear.gather [spmem:s24], $0x2000, $0x38;
	[tilespmem:$0x1EC00] =	vst v63  }
0xc9: {  	_ =	swait.ge [sflag:s2], $0x2000  }
0xca: {  	[sflag:s2] =	ssyncset.done $0x0  }
0xcb: {  	s25 =	rddreg [dreg:$0x6];
	[sflag:s2] =	ssyncadd.s32 $0xFFFFE000  }
0xcc: {  	[hbm4b:s25+s1] =	stream.linear.scatter [tilespmem:s0], [sflag:$0x7], $0x2000, $0x38;
	[tilespmem:$0x1EC00] =	vst v63  }
0xcd: {  	s12 =	rddreg [dreg:$0x12]  }
0xce: {  	[tilespmem:s11], [sflag:$0x9] =	stream.linear.gather [spmem:s12], $0x2000, $0x38;
	[tilespmem:$0x1EC00] =	vst v63  }
0xcf: {  	_ =	swait.ge [sflag:s2], $0x2000  }
0xd0: {  	[sflag:s2] =	ssyncset.done $0x0  }
0xd1: {  	s28 =	simm.s32 $0x7;
	s25 =	rddreg [dreg:$0x7];
	[sflag:s2] =	ssyncadd.s32 $0xFFFFE000  }
0xd2: {  	[hbm4b:s25+s1] =	stream.linear.scatter [tilespmem:s11], [sflag:$0x8], $0x2000, $0x38;
	[tilespmem:$0x1EC00] =	vst v63  }
0xd3: {  	_ =	swait.ge [sflag:s28], $0x2000  }
0xd4: {  	[sflag:s28] =	ssyncset.done $0x0  }
0xd5: {  	s26 =	rddreg [dreg:$0x13];
	[sflag:s28] =	ssyncadd.s32 $0xFFFFE000  }
0xd6: {  	[tilespmem:s0], [sflag:$0x9] =	stream.linear.gather [spmem:s26], $0x2000, $0x38;
	[tilespmem:$0x1EC00] =	vst v63  }
0xd7: {  	_ =	swait.ge [sflag:s2], $0x2000  }
0xd8: {  	[sflag:s2] =	ssyncset.done $0x0  }
0xd9: {  	s25 =	simm.s32 $0x8;
	s12 =	rddreg [dreg:$0x8];
	[sflag:s2] =	ssyncadd.s32 $0xFFFFE000  }
0xda: {  	[hbm4b:s12+s1] =	stream.linear.scatter [tilespmem:s0], [sflag:$0x7], $0x2000, $0x38;
	[tilespmem:$0x1EC00] =	vst v63  }
0xdb: {  	_ =	swait.ge [sflag:s25], $0x2000  }
0xdc: {  	[sflag:s25] =	ssyncset.done $0x0  }
0xdd: {  	[sflag:s25] =	ssyncadd.s32 $0xFFFFE000  }
0xde: {  	[tilespmem:s11], [sflag:$0x9] =	stream.linear.gather [spmem:s23], $0x2000, $0x38;
	[tilespmem:$0x1EC00] =	vst v63  }
0xdf: {  	_ =	swait.ge [sflag:s2], $0x2000  }
0xe0: {  	[sflag:s2] =	ssyncset.done $0x0  }
0xe1: {  	s24 =	rddreg [dreg:$0x9];
	[sflag:s2] =	ssyncadd.s32 $0xFFFFE000  }
0xe2: {  	[hbm4b:s24+s1] =	stream.linear.scatter [tilespmem:s11], [sflag:$0x8], $0x2000, $0x38;
	[tilespmem:$0x1EC00] =	vst v63  }
0xe3: {  	_ =	swait.ge [sflag:s28], $0x2000  }
0xe4: {  	[sflag:s28] =	ssyncset.done $0x0  }
0xe5: {  	s12 =	rddreg [dreg:$0x14];
	[sflag:s28] =	ssyncadd.s32 $0xFFFFE000  }
0xe6: {  	[tilespmem:s0], [sflag:$0x9] =	stream.linear.gather [spmem:s12], $0x2000, $0x38;
	[tilespmem:$0x1EC00] =	vst v63  }
0xe7: {  	_ =	swait.ge [sflag:s2], $0x2000  }
0xe8: {  	[sflag:s2] =	ssyncset.done $0x0  }
0xe9: {  	s24 =	rddreg [dreg:$0xa];
	[sflag:s2] =	ssyncadd.s32 $0xFFFFE000  }
0xea: {  	[hbm4b:s24+s1] =	stream.linear.scatter [tilespmem:s0], [sflag:$0x7], $0x2000, $0x38;
	[tilespmem:$0x1EC00] =	vst v63  }
0xeb: {  	_ =	swait.ge [sflag:s25], $0x2000  }
0xec: {  	[sflag:s25] =	ssyncset.done $0x0  }
0xed: {  	s23 =	smov.u32 s12;
	s12 =	rddreg [dreg:$0x15];
	[sflag:s25] =	ssyncadd.s32 $0xFFFFE000  }
0xee: {  	[tilespmem:s11], [sflag:$0x9] =	stream.linear.gather [spmem:s12], $0x2000, $0x38;
	[tilespmem:$0x1EC00] =	vst v63  }
0xef: {  	_ =	swait.ge [sflag:s2], $0x2000  }
0xf0: {  	[sflag:s2] =	ssyncset.done $0x0  }
0xf1: {  	s24 =	smov.u32 s12;
	s12 =	rddreg [dreg:$0xb];
	[sflag:s2] =	ssyncadd.s32 $0xFFFFE000  }
0xf2: {  	[hbm4b:s12+s1] =	stream.linear.scatter [tilespmem:s11], [sflag:$0x8], $0x2000, $0x38;
	[tilespmem:$0x1EC00] =	vst v63  }
0xf3: {  	_ =	swait.ge [sflag:s28], $0x2000  }
0xf4: {  	[sflag:s28] =	ssyncset.done $0x0  }
0xf5: {  	s12 =	rddreg [dreg:$0x16];
	[sflag:s28] =	ssyncadd.s32 $0xFFFFE000  }
0xf6: {  	[tilespmem:s0], [sflag:$0x9] =	stream.linear.gather [spmem:s12], $0x2000, $0x38;
	[tilespmem:$0x1EC00] =	vst v63  }
0xf7: {  	_ =	swait.ge [sflag:s2], $0x2000  }
0xf8: {  	[sflag:s2] =	ssyncset.done $0x0  }
0xf9: {  	s30 =	smov.u32 s12;
	s12 =	rddreg [dreg:$0xc];
	[sflag:s2] =	ssyncadd.s32 $0xFFFFE000  }
0xfa: {  	[hbm4b:s12+s1] =	stream.linear.scatter [tilespmem:s0], [sflag:$0x7], $0x2000, $0x38;
	[tilespmem:$0x1EC00] =	vst v63  }
0xfb: {  	_ =	swait.ge [sflag:s25], $0x2000  }
0xfc: {  	[sflag:s25] =	ssyncset.done $0x0  }
0xfd: {  	s12 =	rddreg [dreg:$0x18];
	[sflag:s25] =	ssyncadd.s32 $0xFFFFE000  }
0xfe: {  	[tilespmem:s11], [sflag:$0x9] =	stream.linear.gather [spmem:s12], $0x2000, $0x38;
	[tilespmem:$0x1EC00] =	vst v63  }
0xff: {  	_ =	swait.ge [sflag:s2], $0x2000  }
0x100: {  	[sflag:s2] =	ssyncset.done $0x0  }
0x101: {  	s29 =	smov.u32 s12;
	s12 =	rddreg [dreg:$0xd];
	[sflag:s2] =	ssyncadd.s32 $0xFFFFE000  }
0x102: {  	[hbm4b:s12+s1] =	stream.linear.scatter [tilespmem:s11], [sflag:$0x8], $0x2000, $0x38;
	[tilespmem:$0x1EC00] =	vst v63  }
0x103: {  	_ =	swait.ge [sflag:s28], $0x2000  }
0x104: {  	[sflag:s28] =	ssyncset.done $0x0  }
0x105: {  	s26 =	rddreg [dreg:$0x19];
	[sflag:s28] =	ssyncadd.s32 $0xFFFFE000  }
0x106: {  	[tilespmem:s0], [sflag:$0x9] =	stream.linear.gather [spmem:s26], $0x2000, $0x38;
	[tilespmem:$0x1EC00] =	vst v63  }
0x107: {  	_ =	swait.ge [sflag:s2], $0x2000  }
0x108: {  	[sflag:s2] =	ssyncset.done $0x0  }
0x109: {  	s12 =	rddreg [dreg:$0xe];
	[sflag:s2] =	ssyncadd.s32 $0xFFFFE000  }
0x10a: {  	[hbm4b:s12+s1] =	stream.linear.scatter [tilespmem:s0], [sflag:$0x7], $0x2000, $0x38;
	[tilespmem:$0x1EC00] =	vst v63  }
0x10b: {  	_ =	swait.ge [sflag:s25], $0x2000  }
0x10c: {  	[sflag:s25] =	ssyncset.done $0x0  }
0x10d: {  	s12 =	rddreg [dreg:$0x1a];
	[sflag:s25] =	ssyncadd.s32 $0xFFFFE000  }
0x10e: {  	[tilespmem:s11], [sflag:$0x9] =	stream.linear.gather [spmem:s12], $0x2000, $0x38;
	[tilespmem:$0x1EC00] =	vst v63  }
0x10f: {  	_ =	swait.ge [sflag:s2], $0x2000  }
0x110: {  	[sflag:s2] =	ssyncset.done $0x0  }
0x111: {  	s26 =	rddreg [dreg:$0xf];
	[sflag:s2] =	ssyncadd.s32 $0xFFFFE000  }
0x112: {  	[hbm4b:s26+s1] =	stream.linear.scatter [tilespmem:s11], [sflag:$0x8], $0x2000, $0x38;
	[tilespmem:$0x1EC00] =	vst v63  }
0x113: {  	_ =	swait.ge [sflag:s28], $0x2000  }
0x114: {  	[sflag:s28] =	ssyncset.done $0x0  }
0x115: {  	[sflag:s28] =	ssyncadd.s32 $0xFFFFE000  }
0x116: {  	_ =	swait.ge [sflag:s25], $0x2000  }
0x117: {  	s28 =	rddreg [dreg:$0x1d]  }
0x118: {  	s26 =	rddreg [dreg:$0x1b];
	s28 =	sadd.s32 $0x1, s28  }
0x119: {  	p0 =	sne.s32 s28, s26  }
.Ltmp2:
0x11a: {  	_ = 	snop;
	(pc) =	sbr.rel @p0 .LBB2_1-.Ltmp2, $3  }
0x11b: {  	_ =	sdelay $0x1  }
0x11c: {  	[sflag:s25] =	ssyncset.done $0x0  }
0x11d: {  	[sflag:s25] =	ssyncadd.s32 $0xFFFFE000;
	s25 =	rddreg [dreg:$0x1e]  }
0x11e: {  	_ =	sfence.sel $0x180000  }
0x11f: {  	[bflag:$0x0] =	sbarrier.arrive $0xFFFF  }
0x120: {  	_ =	strace $0x90000047  }
0x121: {  	s0 =	stileid.u32;
	[bflag:$0x2] =	sbarrier.arrive $0xFFFF  }
0x122: {  	p0 =	sne.s32 s0, $0x0;
	s0 =	rddreg [dreg:$0x4]  }
0x123: {  	s0 =	sadd.s32 @!p0 $0x100000, s0  }
0x124: {  	[sflag:s0] =	ssyncadd.tile.s32 @!p0 $0x1;
	_ =	shalt  }
.Lfunc_end2:
_tile_overlayer_lowered:
.L_overlay_start_2:
0x125: {  	(tag) =	ssettag $0x2  }
0x126: {  	s0 =	rddreg [dreg:$0x0];
	s2 =	stileid.u32  }
0x127: {  	s1 =	rddreg [dreg:$0x1];
	p0 =	sne.s32 s2, $0x0  }
0x128: {  	s3 =	rddreg [dreg:$0x2];
	[bflag:$0x3] =	sbarrier.arrive $0xFFFF;
	s2 =	simm.s32 @!p0 $0x1C09  }
0x129: {  	[timem:s3], [sflag:s2] =	dma.local @!p0 [hbm:s0], s1  }
0x12a: {  	s0 =	simm.s32 @!p0 $0x9  }
0x12b: {  	_ =	swait.ge @!p0 [sflag:s0], s1  }
0x12c: {  	s1 =	ssub.s32 @!p0 $0x0, s1;
	[sflag:s0] =	ssyncset.done @!p0 $0x0  }
0x12d: {  	[sflag:s0] =	ssyncadd.s32 @!p0 s1  }
0x12e: {  	[bflag:$0x3] =	sbarrier.arrive $0xFFFF  }
0x12f: {  	_ =	shalt  }

</sc_bundles>
